<compile_context>
chip_gen: v7x
topology: tpu7x:2x2x1
jax: 0.10.2.dev20260603
libtpu: 0.0.44.dev20260713+nightly
codegen_flags: <defaults>
</compile_context>

<pallas_src>
import functools

import jax
import jax.numpy as jnp
from jax import lax
from jax.experimental import pallas as pl
from jax.experimental.pallas import tpu as pltpu
from jax.experimental.pallas import tpu_sc as plsc

_N_EMB = 8192
_DIM = 32
_M_BLK = 1024
_J_BLK = 4096

_NC = 2
_NS = 16
_NW = _NC * _NS
_ROWS_PER_W = _N_EMB // _NW
_CHUNK = 128


_LANES = 128


def _argmin_body(x_ref, a_ref, b_ref, w_ref, idx_ref):
    x = x_ref[...]
    w = w_ref[...]
    c = lax.dot_general(x, w, (((1,), (1,)), ((), ())),
                        preferred_element_type=jnp.float32)
    m = x.shape[0]
    a = a_ref[...]
    b = b_ref[...]
    lane = lax.broadcasted_iota(jnp.int32, (m, _LANES), 1).astype(jnp.float32)
    acc = jnp.full((m, 1), jnp.inf, jnp.float32)
    idx = jnp.zeros((m, 1), jnp.float32)
    for g in range(_N_EMB // _J_BLK):
        accv = jnp.full((m, _LANES), jnp.inf, jnp.float32)
        vsel = jnp.zeros((m, _LANES), jnp.float32)
        for v in range(_J_BLK // _LANES):
            lo = g * _J_BLK + v * _LANES
            dv = (a + b[:, lo:lo + _LANES]) - 2.0 * c[:, lo:lo + _LANES]
            win = dv < accv
            accv = jnp.where(win, dv, accv)
            vsel = jnp.where(win, jnp.float32(v), vsel)
        mn = jnp.min(accv, axis=1, keepdims=True)
        j = vsel * jnp.float32(_LANES) + lane + jnp.float32(g * _J_BLK)
        ig = jnp.min(jnp.where(accv == mn, j, jnp.float32(_N_EMB)),
                     axis=1, keepdims=True)
        win = mn < acc
        acc = jnp.where(win, mn.astype(jnp.bfloat16).astype(jnp.float32), acc)
        idx = jnp.where(win, ig, idx)
    idx_ref[0, 0, :] = idx[:, 0].astype(jnp.int32)


def _nearest_indices(flat, a, b, weight):
    g = flat.shape[0] // _M_BLK
    idx = pl.pallas_call(
        _argmin_body,
        grid=(g,),
        in_specs=[
            pl.BlockSpec((_M_BLK, _DIM), lambda i: (i, 0)),
            pl.BlockSpec((_M_BLK, 1), lambda i: (i, 0)),
            pl.BlockSpec((1, _N_EMB), lambda i: (0, 0)),
            pl.BlockSpec((_N_EMB, _DIM), lambda i: (0, 0)),
        ],
        out_specs=pl.BlockSpec((1, 1, _M_BLK), lambda i: (i, 0, 0)),
        out_shape=jax.ShapeDtypeStruct((g, 1, _M_BLK), jnp.int32),
    )(flat, a, b, weight)
    return idx.reshape(-1)


@functools.partial(
    pl.kernel,
    mesh=plsc.VectorSubcoreMesh(core_axis_name="c", subcore_axis_name="s"),
    compiler_params=pltpu.CompilerParams(use_tc_tiling_on_sc=False),
    out_type=jax.ShapeDtypeStruct((_N_EMB, _DIM), jnp.float32),
    scratch_types=[
        pltpu.VMEM((2, _CHUNK), jnp.int32),
        pltpu.VMEM((_ROWS_PER_W, _DIM), jnp.float32),
        pltpu.SemaphoreType.DMA,
    ],
)
def _sc_gather(w_hbm, idx_hbm, out_hbm, idx_v, rows_v, sem):
    wid = lax.axis_index("s") * _NC + lax.axis_index("c")
    base = wid * _ROWS_PER_W
    for j in range(_ROWS_PER_W // _CHUNK):
        pltpu.sync_copy(idx_hbm.at[pl.ds(base + j * _CHUNK, _CHUNK)],
                        idx_v.at[j])
    copies = [
        pltpu.async_copy(w_hbm.at[idx_v.at[j]],
                         rows_v.at[pl.ds(j * _CHUNK, _CHUNK)], sem)
        for j in range(_ROWS_PER_W // _CHUNK)
    ]
    for cp in copies:
        cp.wait()
    pltpu.sync_copy(rows_v, out_hbm.at[pl.ds(base, _ROWS_PER_W)])


def kernel(inputs, weight):
    x = jnp.transpose(inputs, (0, 2, 3, 1))
    input_shape = x.shape
    flat = x.reshape(-1, _DIM)
    a = jnp.sum(flat ** 2, axis=1, keepdims=True)
    b = jnp.sum(weight ** 2, axis=1).reshape(1, _N_EMB)

    idx = _nearest_indices(flat, a, b, weight)
    wq = weight.astype(jnp.bfloat16).astype(jnp.float32)
    q = _sc_gather(wq, idx)
    return jnp.transpose(q.reshape(input_shape), (0, 3, 1, 2))

# --- scband reference (transcript-rebuilt; emitter-appended) ---
"""Pipeline reference for scband-vector-quantizer-19404662243549 (READ-ONLY COPY).

The authoritative reference and input builder live on the scoring server;
editing this copy changes nothing except your own understanding.
"""

import jax, jax.numpy as jnp
import numpy as np

NUM_EMBEDDINGS = 8192
EMBEDDING_DIM = 32

def setup_inputs(seed: int = 0) -> dict:
    key = jax.random.key(seed)
    k1, k2, k3 = jax.random.split(key, 3)
    inputs = jax.random.normal(k1, (8, EMBEDDING_DIM, 32, 32), dtype=jnp.float32)
    # learned codebook (nn.Embedding weight, initialized normal_() in torch)
    weight = jax.random.normal(k2, (NUM_EMBEDDINGS, EMBEDDING_DIM), dtype=jnp.float32)
    return {"inputs": inputs, "weight": weight}

def reference(inputs, weight):
    # inputs: [B, C, H, W] -> permute to [B, H, W, C]
    x = jnp.transpose(inputs, (0, 2, 3, 1))
    input_shape = x.shape
    flat_input = x.reshape(-1, EMBEDDING_DIM)
    # squared L2 distances to every codebook entry
    distances = (jnp.sum(flat_input ** 2, axis=1, keepdims=True)
                 + jnp.sum(weight ** 2, axis=1)
                 - 2.0 * jnp.matmul(flat_input, weight.T))
    encoding_indices = jnp.argmin(distances, axis=1)
    n = encoding_indices.shape[0]
    # one-hot encodings via scatter-overwrite (torch scatter_)
    encodings = jnp.zeros((n, NUM_EMBEDDINGS), dtype=flat_input.dtype)
    encodings = encodings.at[jnp.arange(n), encoding_indices].set(1.0)
    quantized = jnp.matmul(encodings, weight).reshape(input_shape)
    # straight-through estimator
    quantized = x + jax.lax.stop_gradient(quantized - x)
    return jnp.transpose(quantized, (0, 3, 1, 2))

if __name__ == "__main__":
    import jax
    _d = setup_inputs()
    print(jax.jit(kernel)(*tuple(_d.values())))

</pallas_src>

<mosaic_0001>
#map = affine_map<(d0, d1) -> (0, 0)>
#map1 = affine_map<(d0, d1) -> (0)>
module attributes {stable_mosaic.version = 14 : i64} {
  func.func @_sc_gather(%arg0: i32, %arg1: i32, %arg2: memref<8192x32xf32, #tpu.memory_space<hbm>>, %arg3: memref<8192xi32, #tpu.memory_space<hbm>>, %arg4: memref<8192x32xf32, #tpu.memory_space<hbm>>, %arg5: memref<2x128xi32, #tpu.memory_space<vmem>>, %arg6: memref<256x32xf32, #tpu.memory_space<vmem>>, %arg7: memref<!tpu.dma_semaphore, #tpu.memory_space<semaphore_mem>>) attributes {dimension_semantics = [#tpu.dimension_semantics<core_parallel>, #tpu.dimension_semantics<subcore_parallel>], iteration_bounds = array<i64: 2, 16>, scalar_prefetch = 0 : i64, scratch_operands = 3 : i64, tpu.core_type = #tpu.core_type<sc_vector_subcore>, window_params = [{transform_indices = #map}, {transform_indices = #map1}, {transform_indices = #map}]} {
    %mul3A = arith.constant 2 : i32
    %mul3A_0 = arith.muli %arg1, %mul3A : i32
    %add3A = arith.addi %mul3A_0, %arg0 : i32
    %mul3A_1 = arith.constant 256 : i32
    %mul3A_2 = arith.muli %add3A, %mul3A_1 : i32
    %add3A_3 = arith.constant 0 : i32
    %add3A_4 = arith.addi %mul3A_2, %add3A_3 : i32
    %run_scoped3A = arith.constant 0 : i32
    "tpu.region"() ({
      %run_scoped3A_46 = tpu.sem_alloc : memref<!tpu.dma_semaphore, #tpu.memory_space<semaphore_mem>>
      %dma_start3A_47 = arith.constant 0 : i32
      %dma_start3A_48 = tpu.memref_slice %arg5[%run_scoped3A, %dma_start3A_47] : memref<2x128xi32, #tpu.memory_space<vmem>> -> memref<1x128xi32, #tpu.memory_space<vmem>>
      %dma_start3A_49 = tpu.memref_squeeze %dma_start3A_48 : memref<1x128xi32, #tpu.memory_space<vmem>> -> memref<128xi32, #tpu.memory_space<vmem>>
      %dma_start3A_50 = tpu.memref_slice %arg3[%add3A_4] : memref<8192xi32, #tpu.memory_space<hbm>> -> memref<128xi32, #tpu.memory_space<hbm>>
      %dma_start3A_51 = arith.constant 0 : i32
      %dma_start3A_52 = tpu.memref_slice %arg5[%run_scoped3A, %dma_start3A_51] : memref<2x128xi32, #tpu.memory_space<vmem>> -> memref<1x128xi32, #tpu.memory_space<vmem>>
      %dma_start3A_53 = tpu.memref_squeeze %dma_start3A_52 : memref<1x128xi32, #tpu.memory_space<vmem>> -> memref<128xi32, #tpu.memory_space<vmem>>
      %dma_start3A_54 = tpu.memref_slice %arg3[%add3A_4] : memref<8192xi32, #tpu.memory_space<hbm>> -> memref<128xi32, #tpu.memory_space<hbm>>
      tpu.enqueue_dma source(%dma_start3A_54 : memref<128xi32, #tpu.memory_space<hbm>>) target(%dma_start3A_53 : memref<128xi32, #tpu.memory_space<vmem>>) target_semaphore(%run_scoped3A_46 : memref<!tpu.dma_semaphore, #tpu.memory_space<semaphore_mem>>)
      %dma_wait3A_55 = arith.constant 0 : i32
      %dma_wait3A_56 = tpu.memref_slice %arg5[%run_scoped3A, %dma_wait3A_55] : memref<2x128xi32, #tpu.memory_space<vmem>> -> memref<1x128xi32, #tpu.memory_space<vmem>>
      %dma_wait3A_57 = tpu.memref_squeeze %dma_wait3A_56 : memref<1x128xi32, #tpu.memory_space<vmem>> -> memref<128xi32, #tpu.memory_space<vmem>>
      %dma_wait3A_58 = tpu.memref_slice %arg3[%add3A_4] : memref<8192xi32, #tpu.memory_space<hbm>> -> memref<128xi32, #tpu.memory_space<hbm>>
      %dma_wait3A_59 = arith.constant 0 : i32
      %dma_wait3A_60 = tpu.memref_slice %arg5[%run_scoped3A, %dma_wait3A_59] : memref<2x128xi32, #tpu.memory_space<vmem>> -> memref<1x128xi32, #tpu.memory_space<vmem>>
      %dma_wait3A_61 = tpu.memref_squeeze %dma_wait3A_60 : memref<1x128xi32, #tpu.memory_space<vmem>> -> memref<128xi32, #tpu.memory_space<vmem>>
      %dma_wait3A_62 = tpu.memref_slice %arg3[%add3A_4] : memref<8192xi32, #tpu.memory_space<hbm>> -> memref<128xi32, #tpu.memory_space<hbm>>
      tpu.wait_dma2 semaphore(%run_scoped3A_46 : memref<!tpu.dma_semaphore, #tpu.memory_space<semaphore_mem>>) src(%dma_wait3A_62 : memref<128xi32, #tpu.memory_space<hbm>>) dst(%dma_wait3A_61 : memref<128xi32, #tpu.memory_space<vmem>>)
      tpu.yield
    }) : () -> ()
    %add3A_5 = arith.constant 128 : i32
    %add3A_6 = arith.addi %mul3A_2, %add3A_5 : i32
    %run_scoped3A_7 = arith.constant 1 : i32
    "tpu.region"() ({
      %run_scoped3A_46 = tpu.sem_alloc : memref<!tpu.dma_semaphore, #tpu.memory_space<semaphore_mem>>
      %dma_start3A_47 = arith.constant 0 : i32
      %dma_start3A_48 = tpu.memref_slice %arg5[%run_scoped3A_7, %dma_start3A_47] : memref<2x128xi32, #tpu.memory_space<vmem>> -> memref<1x128xi32, #tpu.memory_space<vmem>>
      %dma_start3A_49 = tpu.memref_squeeze %dma_start3A_48 : memref<1x128xi32, #tpu.memory_space<vmem>> -> memref<128xi32, #tpu.memory_space<vmem>>
      %dma_start3A_50 = tpu.memref_slice %arg3[%add3A_6] : memref<8192xi32, #tpu.memory_space<hbm>> -> memref<128xi32, #tpu.memory_space<hbm>>
      %dma_start3A_51 = arith.constant 0 : i32
      %dma_start3A_52 = tpu.memref_slice %arg5[%run_scoped3A_7, %dma_start3A_51] : memref<2x128xi32, #tpu.memory_space<vmem>> -> memref<1x128xi32, #tpu.memory_space<vmem>>
      %dma_start3A_53 = tpu.memref_squeeze %dma_start3A_52 : memref<1x128xi32, #tpu.memory_space<vmem>> -> memref<128xi32, #tpu.memory_space<vmem>>
      %dma_start3A_54 = tpu.memref_slice %arg3[%add3A_6] : memref<8192xi32, #tpu.memory_space<hbm>> -> memref<128xi32, #tpu.memory_space<hbm>>
      tpu.enqueue_dma source(%dma_start3A_54 : memref<128xi32, #tpu.memory_space<hbm>>) target(%dma_start3A_53 : memref<128xi32, #tpu.memory_space<vmem>>) target_semaphore(%run_scoped3A_46 : memref<!tpu.dma_semaphore, #tpu.memory_space<semaphore_mem>>)
      %dma_wait3A_55 = arith.constant 0 : i32
      %dma_wait3A_56 = tpu.memref_slice %arg5[%run_scoped3A_7, %dma_wait3A_55] : memref<2x128xi32, #tpu.memory_space<vmem>> -> memref<1x128xi32, #tpu.memory_space<vmem>>
      %dma_wait3A_57 = tpu.memref_squeeze %dma_wait3A_56 : memref<1x128xi32, #tpu.memory_space<vmem>> -> memref<128xi32, #tpu.memory_space<vmem>>
      %dma_wait3A_58 = tpu.memref_slice %arg3[%add3A_6] : memref<8192xi32, #tpu.memory_space<hbm>> -> memref<128xi32, #tpu.memory_space<hbm>>
      %dma_wait3A_59 = arith.constant 0 : i32
      %dma_wait3A_60 = tpu.memref_slice %arg5[%run_scoped3A_7, %dma_wait3A_59] : memref<2x128xi32, #tpu.memory_space<vmem>> -> memref<1x128xi32, #tpu.memory_space<vmem>>
      %dma_wait3A_61 = tpu.memref_squeeze %dma_wait3A_60 : memref<1x128xi32, #tpu.memory_space<vmem>> -> memref<128xi32, #tpu.memory_space<vmem>>
      %dma_wait3A_62 = tpu.memref_slice %arg3[%add3A_6] : memref<8192xi32, #tpu.memory_space<hbm>> -> memref<128xi32, #tpu.memory_space<hbm>>
      tpu.wait_dma2 semaphore(%run_scoped3A_46 : memref<!tpu.dma_semaphore, #tpu.memory_space<semaphore_mem>>) src(%dma_wait3A_62 : memref<128xi32, #tpu.memory_space<hbm>>) dst(%dma_wait3A_61 : memref<128xi32, #tpu.memory_space<vmem>>)
      tpu.yield
    }) : () -> ()
    %dma_start3A = arith.constant 0 : i32
    %dma_start3A_8 = arith.constant 0 : i32
    %dma_start3A_9 = arith.constant 0 : i32
    %dma_start3A_10 = tpu.memref_slice %arg6[%dma_start3A_8, %dma_start3A_9] : memref<256x32xf32, #tpu.memory_space<vmem>> -> memref<128x32xf32, #tpu.memory_space<vmem>>
    %dma_start3A_11 = arith.constant 0 : i32
    %dma_start3A_12 = tpu.memref_slice %arg5[%dma_start3A, %dma_start3A_11] : memref<2x128xi32, #tpu.memory_space<vmem>> -> memref<1x128xi32, #tpu.memory_space<vmem>>
    %dma_start3A_13 = tpu.memref_squeeze %dma_start3A_12 : memref<1x128xi32, #tpu.memory_space<vmem>> -> memref<128xi32, #tpu.memory_space<vmem>>
    %dma_start3A_14 = arith.constant 0 : i32
    %dma_start3A_15 = arith.constant 0 : i32
    %dma_start3A_16 = tpu.memref_slice %arg2[%dma_start3A_14, %dma_start3A_15] : memref<8192x32xf32, #tpu.memory_space<hbm>> -> memref<8192x32xf32, #tpu.memory_space<hbm>>
    tpu.enqueue_indirect_dma source(%dma_start3A_16 : memref<8192x32xf32, #tpu.memory_space<hbm>>) target(%dma_start3A_10 : memref<128x32xf32, #tpu.memory_space<vmem>>) offsets(%dma_start3A_13 : memref<128xi32, #tpu.memory_space<vmem>>) semaphore(%arg7 : memref<!tpu.dma_semaphore, #tpu.memory_space<semaphore_mem>>)
    %dma_start3A_17 = arith.constant 1 : i32
    %dma_start3A_18 = arith.constant 128 : i32
    %dma_start3A_19 = arith.constant 0 : i32
    %dma_start3A_20 = tpu.memref_slice %arg6[%dma_start3A_18, %dma_start3A_19] : memref<256x32xf32, #tpu.memory_space<vmem>> -> memref<128x32xf32, #tpu.memory_space<vmem>>
    %dma_start3A_21 = arith.constant 0 : i32
    %dma_start3A_22 = tpu.memref_slice %arg5[%dma_start3A_17, %dma_start3A_21] : memref<2x128xi32, #tpu.memory_space<vmem>> -> memref<1x128xi32, #tpu.memory_space<vmem>>
    %dma_start3A_23 = tpu.memref_squeeze %dma_start3A_22 : memref<1x128xi32, #tpu.memory_space<vmem>> -> memref<128xi32, #tpu.memory_space<vmem>>
    %dma_start3A_24 = arith.constant 0 : i32
    %dma_start3A_25 = arith.constant 0 : i32
    %dma_start3A_26 = tpu.memref_slice %arg2[%dma_start3A_24, %dma_start3A_25] : memref<8192x32xf32, #tpu.memory_space<hbm>> -> memref<8192x32xf32, #tpu.memory_space<hbm>>
    tpu.enqueue_indirect_dma source(%dma_start3A_26 : memref<8192x32xf32, #tpu.memory_space<hbm>>) target(%dma_start3A_20 : memref<128x32xf32, #tpu.memory_space<vmem>>) offsets(%dma_start3A_23 : memref<128xi32, #tpu.memory_space<vmem>>) semaphore(%arg7 : memref<!tpu.dma_semaphore, #tpu.memory_space<semaphore_mem>>)
    %dma_wait3A = arith.constant 0 : i32
    %dma_wait3A_27 = arith.constant 0 : i32
    %dma_wait3A_28 = arith.constant 0 : i32
    %dma_wait3A_29 = tpu.memref_slice %arg6[%dma_wait3A_27, %dma_wait3A_28] : memref<256x32xf32, #tpu.memory_space<vmem>> -> memref<128x32xf32, #tpu.memory_space<vmem>>
    %dma_wait3A_30 = arith.constant 0 : i32
    %dma_wait3A_31 = tpu.memref_slice %arg5[%dma_wait3A, %dma_wait3A_30] : memref<2x128xi32, #tpu.memory_space<vmem>> -> memref<1x128xi32, #tpu.memory_space<vmem>>
    %dma_wait3A_32 = tpu.memref_squeeze %dma_wait3A_31 : memref<1x128xi32, #tpu.memory_space<vmem>> -> memref<128xi32, #tpu.memory_space<vmem>>
    %dma_wait3A_33 = arith.constant 0 : i32
    %dma_wait3A_34 = arith.constant 0 : i32
    %dma_wait3A_35 = tpu.memref_slice %arg2[%dma_wait3A_33, %dma_wait3A_34] : memref<8192x32xf32, #tpu.memory_space<hbm>> -> memref<8192x32xf32, #tpu.memory_space<hbm>>
    tpu.wait_indirect_dma semaphore(%arg7 : memref<!tpu.dma_semaphore, #tpu.memory_space<semaphore_mem>>) src(%dma_wait3A_35 : memref<8192x32xf32, #tpu.memory_space<hbm>>) dst(%dma_wait3A_29 : memref<128x32xf32, #tpu.memory_space<vmem>>)
    %dma_wait3A_36 = arith.constant 1 : i32
    %dma_wait3A_37 = arith.constant 128 : i32
    %dma_wait3A_38 = arith.constant 0 : i32
    %dma_wait3A_39 = tpu.memref_slice %arg6[%dma_wait3A_37, %dma_wait3A_38] : memref<256x32xf32, #tpu.memory_space<vmem>> -> memref<128x32xf32, #tpu.memory_space<vmem>>
    %dma_wait3A_40 = arith.constant 0 : i32
    %dma_wait3A_41 = tpu.memref_slice %arg5[%dma_wait3A_36, %dma_wait3A_40] : memref<2x128xi32, #tpu.memory_space<vmem>> -> memref<1x128xi32, #tpu.memory_space<vmem>>
    %dma_wait3A_42 = tpu.memref_squeeze %dma_wait3A_41 : memref<1x128xi32, #tpu.memory_space<vmem>> -> memref<128xi32, #tpu.memory_space<vmem>>
    %dma_wait3A_43 = arith.constant 0 : i32
    %dma_wait3A_44 = arith.constant 0 : i32
    %dma_wait3A_45 = tpu.memref_slice %arg2[%dma_wait3A_43, %dma_wait3A_44] : memref<8192x32xf32, #tpu.memory_space<hbm>> -> memref<8192x32xf32, #tpu.memory_space<hbm>>
    tpu.wait_indirect_dma semaphore(%arg7 : memref<!tpu.dma_semaphore, #tpu.memory_space<semaphore_mem>>) src(%dma_wait3A_45 : memref<8192x32xf32, #tpu.memory_space<hbm>>) dst(%dma_wait3A_39 : memref<128x32xf32, #tpu.memory_space<vmem>>)
    "tpu.region"() ({
      %run_scoped3A_46 = tpu.sem_alloc : memref<!tpu.dma_semaphore, #tpu.memory_space<semaphore_mem>>
      %dma_start3A_47 = arith.constant 0 : i32
      %dma_start3A_48 = tpu.memref_slice %arg4[%mul3A_2, %dma_start3A_47] : memref<8192x32xf32, #tpu.memory_space<hbm>> -> memref<256x32xf32, #tpu.memory_space<hbm>>
      %dma_start3A_49 = arith.constant 0 : i32
      %dma_start3A_50 = tpu.memref_slice %arg4[%mul3A_2, %dma_start3A_49] : memref<8192x32xf32, #tpu.memory_space<hbm>> -> memref<256x32xf32, #tpu.memory_space<hbm>>
      tpu.enqueue_dma source(%arg6 : memref<256x32xf32, #tpu.memory_space<vmem>>) target(%dma_start3A_50 : memref<256x32xf32, #tpu.memory_space<hbm>>) target_semaphore(%run_scoped3A_46 : memref<!tpu.dma_semaphore, #tpu.memory_space<semaphore_mem>>)
      %dma_wait3A_51 = arith.constant 0 : i32
      %dma_wait3A_52 = tpu.memref_slice %arg4[%mul3A_2, %dma_wait3A_51] : memref<8192x32xf32, #tpu.memory_space<hbm>> -> memref<256x32xf32, #tpu.memory_space<hbm>>
      %dma_wait3A_53 = arith.constant 0 : i32
      %dma_wait3A_54 = tpu.memref_slice %arg4[%mul3A_2, %dma_wait3A_53] : memref<8192x32xf32, #tpu.memory_space<hbm>> -> memref<256x32xf32, #tpu.memory_space<hbm>>
      tpu.wait_dma2 semaphore(%run_scoped3A_46 : memref<!tpu.dma_semaphore, #tpu.memory_space<semaphore_mem>>) src(%arg6 : memref<256x32xf32, #tpu.memory_space<vmem>>) dst(%dma_wait3A_54 : memref<256x32xf32, #tpu.memory_space<hbm>>)
      tpu.yield
    }) : () -> ()
    return
  }
}

module attributes {stable_mosaic.version = 14 : i64} {
  func.func @_argmin_body(%arg0: i32, %arg1: memref<1024x32xf32, #tpu.memory_space<vmem>>, %arg2: memref<1024x1xf32, #tpu.memory_space<vmem>>, %arg3: memref<1x8192xf32, #tpu.memory_space<vmem>>, %arg4: memref<8192x32xf32, #tpu.memory_space<vmem>>, %arg5: memref<1x1x1024xi32, #tpu.memory_space<vmem>>) attributes {dimension_semantics = [#tpu.dimension_semantics<arbitrary>], iteration_bounds = array<i64: 8>, scalar_prefetch = 0 : i64, scratch_operands = 0 : i64, tpu.core_type = #tpu.core_type<tc>, window_params = [{transform_indices = @transform_0, window_bounds = array<i64: 1024, 32>}, {transform_indices = @transform_1, window_bounds = array<i64: 1024, 1>}, {pipeline_mode = #tpu.pipeline_mode<synchronous>, transform_indices = @transform_2, window_bounds = array<i64: 1, 8192>}, {pipeline_mode = #tpu.pipeline_mode<synchronous>, transform_indices = @transform_3, window_bounds = array<i64: 8192, 32>}, {transform_indices = @transform_4, window_bounds = array<i64: 1, 1, 1024>}]} {
    %get3A = arith.constant 0 : index
    %get3A_0 = arith.constant 0 : index
    %get3A_1 = vector.load %arg1[%get3A, %get3A_0] : memref<1024x32xf32, #tpu.memory_space<vmem>>, vector<1024x32xf32>
    %get3A_2 = arith.constant 0 : index
    %get3A_3 = arith.constant 0 : index
    %get3A_4 = vector.load %arg4[%get3A_2, %get3A_3] : memref<8192x32xf32, #tpu.memory_space<vmem>>, vector<8192x32xf32>
    %dot_general3A = arith.constant dense<0.000000e+00> : vector<1024x8192xf32>
    %dot_general3A_5 = tpu.matmul %get3A_1, %get3A_4, %dot_general3A {dimension_numbers = #tpu.dot_dimension_numbers<[1], [1], [0], [0], [0, 0, 1, 0], [], []>, transpose_lhs_hint = false} : vector<1024x32xf32>, vector<8192x32xf32>, vector<1024x8192xf32> -> vector<1024x8192xf32>
    %get3A_6 = arith.constant 0 : index
    %get3A_7 = arith.constant 0 : index
    %get3A_8 = vector.load %arg2[%get3A_6, %get3A_7] : memref<1024x1xf32, #tpu.memory_space<vmem>>, vector<1024x1xf32>
    %get3A_9 = arith.constant 0 : index
    %get3A_10 = arith.constant 0 : index
    %get3A_11 = vector.load %arg3[%get3A_9, %get3A_10] : memref<1x8192xf32, #tpu.memory_space<vmem>>, vector<1x8192xf32>
    %iota3A = tpu.iota {dimensions = array<i32: 1>} : vector<1024x128xi32>
    %convert_element_type3A = arith.sitofp %iota3A : vector<1024x128xi32> to vector<1024x128xf32>
    %broadcast_in_dim3A = arith.constant 0x7F800000 : f32
    %broadcast_in_dim3A_12 = vector.broadcast %broadcast_in_dim3A : f32 to vector<1024x1xf32>
    %broadcast_in_dim3A_13 = arith.constant 0.000000e+00 : f32
    %broadcast_in_dim3A_14 = vector.broadcast %broadcast_in_dim3A_13 : f32 to vector<1024x1xf32>
    %broadcast_in_dim3A_15 = arith.constant 0x7F800000 : f32
    %broadcast_in_dim3A_16 = vector.broadcast %broadcast_in_dim3A_15 : f32 to vector<1024x128xf32>
    %broadcast_in_dim3A_17 = arith.constant 0.000000e+00 : f32
    %broadcast_in_dim3A_18 = vector.broadcast %broadcast_in_dim3A_17 : f32 to vector<1024x128xf32>
    %slice3A = vector.extract_strided_slice %get3A_11 {offsets = [0, 0], sizes = [1, 128], strides = [1, 1]} : vector<1x8192xf32> to vector<1x128xf32>
    %add3A = vector.broadcast %get3A_8 : vector<1024x1xf32> to vector<1024x128xf32>
    %add3A_19 = vector.broadcast %slice3A : vector<1x128xf32> to vector<1024x128xf32>
    %add3A_20 = arith.addf %add3A, %add3A_19 : vector<1024x128xf32>
    %slice3A_21 = vector.extract_strided_slice %dot_general3A_5 {offsets = [0, 0], sizes = [1024, 128], strides = [1, 1]} : vector<1024x8192xf32> to vector<1024x128xf32>
    %mul3A = arith.constant 2.000000e+00 : f32
    %mul3A_22 = vector.broadcast %mul3A : f32 to vector<1024x128xf32>
    %mul3A_23 = arith.mulf %mul3A_22, %slice3A_21 : vector<1024x128xf32>
    %sub3A = arith.subf %add3A_20, %mul3A_23 : vector<1024x128xf32>
    %lt3A = arith.cmpf olt, %sub3A, %broadcast_in_dim3A_16 : vector<1024x128xf32>
    %select_n3A = arith.select %lt3A, %sub3A, %broadcast_in_dim3A_16 : vector<1024x128xi1>, vector<1024x128xf32>
    %jit3A = arith.constant 0.000000e+00 : f32
    %broadcast_in_dim3A_24 = vector.broadcast %jit3A : f32 to vector<1024x128xf32>
    %select_n3A_25 = arith.select %lt3A, %broadcast_in_dim3A_24, %broadcast_in_dim3A_18 : vector<1024x128xi1>, vector<1024x128xf32>
    %slice3A_26 = vector.extract_strided_slice %get3A_11 {offsets = [0, 128], sizes = [1, 128], strides = [1, 1]} : vector<1x8192xf32> to vector<1x128xf32>
    %add3A_27 = vector.broadcast %get3A_8 : vector<1024x1xf32> to vector<1024x128xf32>
    %add3A_28 = vector.broadcast %slice3A_26 : vector<1x128xf32> to vector<1024x128xf32>
    %add3A_29 = arith.addf %add3A_27, %add3A_28 : vector<1024x128xf32>
    %slice3A_30 = vector.extract_strided_slice %dot_general3A_5 {offsets = [0, 128], sizes = [1024, 128], strides = [1, 1]} : vector<1024x8192xf32> to vector<1024x128xf32>
    %mul3A_31 = arith.constant 2.000000e+00 : f32
    %mul3A_32 = vector.broadcast %mul3A_31 : f32 to vector<1024x128xf32>
    %mul3A_33 = arith.mulf %mul3A_32, %slice3A_30 : vector<1024x128xf32>
    %sub3A_34 = arith.subf %add3A_29, %mul3A_33 : vector<1024x128xf32>
    %lt3A_35 = arith.cmpf olt, %sub3A_34, %select_n3A : vector<1024x128xf32>
    %select_n3A_36 = arith.select %lt3A_35, %sub3A_34, %select_n3A : vector<1024x128xi1>, vector<1024x128xf32>
    %jit3A_37 = arith.constant 1.000000e+00 : f32
    %broadcast_in_dim3A_38 = vector.broadcast %jit3A_37 : f32 to vector<1024x128xf32>
    %select_n3A_39 = arith.select %lt3A_35, %broadcast_in_dim3A_38, %select_n3A_25 : vector<1024x128xi1>, vector<1024x128xf32>
    %slice3A_40 = vector.extract_strided_slice %get3A_11 {offsets = [0, 256], sizes = [1, 128], strides = [1, 1]} : vector<1x8192xf32> to vector<1x128xf32>
    %add3A_41 = vector.broadcast %get3A_8 : vector<1024x1xf32> to vector<1024x128xf32>
    %add3A_42 = vector.broadcast %slice3A_40 : vector<1x128xf32> to vector<1024x128xf32>
    %add3A_43 = arith.addf %add3A_41, %add3A_42 : vector<1024x128xf32>
    %slice3A_44 = vector.extract_strided_slice %dot_general3A_5 {offsets = [0, 256], sizes = [1024, 128], strides = [1, 1]} : vector<1024x8192xf32> to vector<1024x128xf32>
    %mul3A_45 = arith.constant 2.000000e+00 : f32
    %mul3A_46 = vector.broadcast %mul3A_45 : f32 to vector<1024x128xf32>
    %mul3A_47 = arith.mulf %mul3A_46, %slice3A_44 : vector<1024x128xf32>
    %sub3A_48 = arith.subf %add3A_43, %mul3A_47 : vector<1024x128xf32>
    %lt3A_49 = arith.cmpf olt, %sub3A_48, %select_n3A_36 : vector<1024x128xf32>
    %select_n3A_50 = arith.select %lt3A_49, %sub3A_48, %select_n3A_36 : vector<1024x128xi1>, vector<1024x128xf32>
    %jit3A_51 = arith.constant 2.000000e+00 : f32
    %broadcast_in_dim3A_52 = vector.broadcast %jit3A_51 : f32 to vector<1024x128xf32>
    %select_n3A_53 = arith.select %lt3A_49, %broadcast_in_dim3A_52, %select_n3A_39 : vector<1024x128xi1>, vector<1024x128xf32>
    %slice3A_54 = vector.extract_strided_slice %get3A_11 {offsets = [0, 384], sizes = [1, 128], strides = [1, 1]} : vector<1x8192xf32> to vector<1x128xf32>
    %add3A_55 = vector.broadcast %get3A_8 : vector<1024x1xf32> to vector<1024x128xf32>
    %add3A_56 = vector.broadcast %slice3A_54 : vector<1x128xf32> to vector<1024x128xf32>
    %add3A_57 = arith.addf %add3A_55, %add3A_56 : vector<1024x128xf32>
    %slice3A_58 = vector.extract_strided_slice %dot_general3A_5 {offsets = [0, 384], sizes = [1024, 128], strides = [1, 1]} : vector<1024x8192xf32> to vector<1024x128xf32>
    %mul3A_59 = arith.constant 2.000000e+00 : f32
    %mul3A_60 = vector.broadcast %mul3A_59 : f32 to vector<1024x128xf32>
    %mul3A_61 = arith.mulf %mul3A_60, %slice3A_58 : vector<1024x128xf32>
    %sub3A_62 = arith.subf %add3A_57, %mul3A_61 : vector<1024x128xf32>
    %lt3A_63 = arith.cmpf olt, %sub3A_62, %select_n3A_50 : vector<1024x128xf32>
    %select_n3A_64 = arith.select %lt3A_63, %sub3A_62, %select_n3A_50 : vector<1024x128xi1>, vector<1024x128xf32>
    %jit3A_65 = arith.constant 3.000000e+00 : f32
    %broadcast_in_dim3A_66 = vector.broadcast %jit3A_65 : f32 to vector<1024x128xf32>
    %select_n3A_67 = arith.select %lt3A_63, %broadcast_in_dim3A_66, %select_n3A_53 : vector<1024x128xi1>, vector<1024x128xf32>
    %slice3A_68 = vector.extract_strided_slice %get3A_11 {offsets = [0, 512], sizes = [1, 128], strides = [1, 1]} : vector<1x8192xf32> to vector<1x128xf32>
    %add3A_69 = vector.broadcast %get3A_8 : vector<1024x1xf32> to vector<1024x128xf32>
    %add3A_70 = vector.broadcast %slice3A_68 : vector<1x128xf32> to vector<1024x128xf32>
    %add3A_71 = arith.addf %add3A_69, %add3A_70 : vector<1024x128xf32>
    %slice3A_72 = vector.extract_strided_slice %dot_general3A_5 {offsets = [0, 512], sizes = [1024, 128], strides = [1, 1]} : vector<1024x8192xf32> to vector<1024x128xf32>
    %mul3A_73 = arith.constant 2.000000e+00 : f32
    %mul3A_74 = vector.broadcast %mul3A_73 : f32 to vector<1024x128xf32>
    %mul3A_75 = arith.mulf %mul3A_74, %slice3A_72 : vector<1024x128xf32>
    %sub3A_76 = arith.subf %add3A_71, %mul3A_75 : vector<1024x128xf32>
    %lt3A_77 = arith.cmpf olt, %sub3A_76, %select_n3A_64 : vector<1024x128xf32>
    %select_n3A_78 = arith.select %lt3A_77, %sub3A_76, %select_n3A_64 : vector<1024x128xi1>, vector<1024x128xf32>
    %jit3A_79 = arith.constant 4.000000e+00 : f32
    %broadcast_in_dim3A_80 = vector.broadcast %jit3A_79 : f32 to vector<1024x128xf32>
    %select_n3A_81 = arith.select %lt3A_77, %broadcast_in_dim3A_80, %select_n3A_67 : vector<1024x128xi1>, vector<1024x128xf32>
    %slice3A_82 = vector.extract_strided_slice %get3A_11 {offsets = [0, 640], sizes = [1, 128], strides = [1, 1]} : vector<1x8192xf32> to vector<1x128xf32>
    %add3A_83 = vector.broadcast %get3A_8 : vector<1024x1xf32> to vector<1024x128xf32>
    %add3A_84 = vector.broadcast %slice3A_82 : vector<1x128xf32> to vector<1024x128xf32>
    %add3A_85 = arith.addf %add3A_83, %add3A_84 : vector<1024x128xf32>
    %slice3A_86 = vector.extract_strided_slice %dot_general3A_5 {offsets = [0, 640], sizes = [1024, 128], strides = [1, 1]} : vector<1024x8192xf32> to vector<1024x128xf32>
    %mul3A_87 = arith.constant 2.000000e+00 : f32
    %mul3A_88 = vector.broadcast %mul3A_87 : f32 to vector<1024x128xf32>
    %mul3A_89 = arith.mulf %mul3A_88, %slice3A_86 : vector<1024x128xf32>
    %sub3A_90 = arith.subf %add3A_85, %mul3A_89 : vector<1024x128xf32>
    %lt3A_91 = arith.cmpf olt, %sub3A_90, %select_n3A_78 : vector<1024x128xf32>
    %select_n3A_92 = arith.select %lt3A_91, %sub3A_90, %select_n3A_78 : vector<1024x128xi1>, vector<1024x128xf32>
    %jit3A_93 = arith.constant 5.000000e+00 : f32
    %broadcast_in_dim3A_94 = vector.broadcast %jit3A_93 : f32 to vector<1024x128xf32>
    %select_n3A_95 = arith.select %lt3A_91, %broadcast_in_dim3A_94, %select_n3A_81 : vector<1024x128xi1>, vector<1024x128xf32>
    %slice3A_96 = vector.extract_strided_slice %get3A_11 {offsets = [0, 768], sizes = [1, 128], strides = [1, 1]} : vector<1x8192xf32> to vector<1x128xf32>
    %add3A_97 = vector.broadcast %get3A_8 : vector<1024x1xf32> to vector<1024x128xf32>
    %add3A_98 = vector.broadcast %slice3A_96 : vector<1x128xf32> to vector<1024x128xf32>
    %add3A_99 = arith.addf %add3A_97, %add3A_98 : vector<1024x128xf32>
    %slice3A_100 = vector.extract_strided_slice %dot_general3A_5 {offsets = [0, 768], sizes = [1024, 128], strides = [1, 1]} : vector<1024x8192xf32> to vector<1024x128xf32>
    %mul3A_101 = arith.constant 2.000000e+00 : f32
    %mul3A_102 = vector.broadcast %mul3A_101 : f32 to vector<1024x128xf32>
    %mul3A_103 = arith.mulf %mul3A_102, %slice3A_100 : vector<1024x128xf32>
    %sub3A_104 = arith.subf %add3A_99, %mul3A_103 : vector<1024x128xf32>
    %lt3A_105 = arith.cmpf olt, %sub3A_104, %select_n3A_92 : vector<1024x128xf32>
    %select_n3A_106 = arith.select %lt3A_105, %sub3A_104, %select_n3A_92 : vector<1024x128xi1>, vector<1024x128xf32>
    %jit3A_107 = arith.constant 6.000000e+00 : f32
    %broadcast_in_dim3A_108 = vector.broadcast %jit3A_107 : f32 to vector<1024x128xf32>
    %select_n3A_109 = arith.select %lt3A_105, %broadcast_in_dim3A_108, %select_n3A_95 : vector<1024x128xi1>, vector<1024x128xf32>
    %slice3A_110 = vector.extract_strided_slice %get3A_11 {offsets = [0, 896], sizes = [1, 128], strides = [1, 1]} : vector<1x8192xf32> to vector<1x128xf32>
    %add3A_111 = vector.broadcast %get3A_8 : vector<1024x1xf32> to vector<1024x128xf32>
    %add3A_112 = vector.broadcast %slice3A_110 : vector<1x128xf32> to vector<1024x128xf32>
    %add3A_113 = arith.addf %add3A_111, %add3A_112 : vector<1024x128xf32>
    %slice3A_114 = vector.extract_strided_slice %dot_general3A_5 {offsets = [0, 896], sizes = [1024, 128], strides = [1, 1]} : vector<1024x8192xf32> to vector<1024x128xf32>
    %mul3A_115 = arith.constant 2.000000e+00 : f32
    %mul3A_116 = vector.broadcast %mul3A_115 : f32 to vector<1024x128xf32>
    %mul3A_117 = arith.mulf %mul3A_116, %slice3A_114 : vector<1024x128xf32>
    %sub3A_118 = arith.subf %add3A_113, %mul3A_117 : vector<1024x128xf32>
    %lt3A_119 = arith.cmpf olt, %sub3A_118, %select_n3A_106 : vector<1024x128xf32>
    %select_n3A_120 = arith.select %lt3A_119, %sub3A_118, %select_n3A_106 : vector<1024x128xi1>, vector<1024x128xf32>
    %jit3A_121 = arith.constant 7.000000e+00 : f32
    %broadcast_in_dim3A_122 = vector.broadcast %jit3A_121 : f32 to vector<1024x128xf32>
    %select_n3A_123 = arith.select %lt3A_119, %broadcast_in_dim3A_122, %select_n3A_109 : vector<1024x128xi1>, vector<1024x128xf32>
    %slice3A_124 = vector.extract_strided_slice %get3A_11 {offsets = [0, 1024], sizes = [1, 128], strides = [1, 1]} : vector<1x8192xf32> to vector<1x128xf32>
    %add3A_125 = vector.broadcast %get3A_8 : vector<1024x1xf32> to vector<1024x128xf32>
    %add3A_126 = vector.broadcast %slice3A_124 : vector<1x128xf32> to vector<1024x128xf32>
    %add3A_127 = arith.addf %add3A_125, %add3A_126 : vector<1024x128xf32>
    %slice3A_128 = vector.extract_strided_slice %dot_general3A_5 {offsets = [0, 1024], sizes = [1024, 128], strides = [1, 1]} : vector<1024x8192xf32> to vector<1024x128xf32>
    %mul3A_129 = arith.constant 2.000000e+00 : f32
    %mul3A_130 = vector.broadcast %mul3A_129 : f32 to vector<1024x128xf32>
    %mul3A_131 = arith.mulf %mul3A_130, %slice3A_128 : vector<1024x128xf32>
    %sub3A_132 = arith.subf %add3A_127, %mul3A_131 : vector<1024x128xf32>
    %lt3A_133 = arith.cmpf olt, %sub3A_132, %select_n3A_120 : vector<1024x128xf32>
    %select_n3A_134 = arith.select %lt3A_133, %sub3A_132, %select_n3A_120 : vector<1024x128xi1>, vector<1024x128xf32>
    %jit3A_135 = arith.constant 8.000000e+00 : f32
    %broadcast_in_dim3A_136 = vector.broadcast %jit3A_135 : f32 to vector<1024x128xf32>
    %select_n3A_137 = arith.select %lt3A_133, %broadcast_in_dim3A_136, %select_n3A_123 : vector<1024x128xi1>, vector<1024x128xf32>
    %slice3A_138 = vector.extract_strided_slice %get3A_11 {offsets = [0, 1152], sizes = [1, 128], strides = [1, 1]} : vector<1x8192xf32> to vector<1x128xf32>
    %add3A_139 = vector.broadcast %get3A_8 : vector<1024x1xf32> to vector<1024x128xf32>
    %add3A_140 = vector.broadcast %slice3A_138 : vector<1x128xf32> to vector<1024x128xf32>
    %add3A_141 = arith.addf %add3A_139, %add3A_140 : vector<1024x128xf32>
    %slice3A_142 = vector.extract_strided_slice %dot_general3A_5 {offsets = [0, 1152], sizes = [1024, 128], strides = [1, 1]} : vector<1024x8192xf32> to vector<1024x128xf32>
    %mul3A_143 = arith.constant 2.000000e+00 : f32
    %mul3A_144 = vector.broadcast %mul3A_143 : f32 to vector<1024x128xf32>
    %mul3A_145 = arith.mulf %mul3A_144, %slice3A_142 : vector<1024x128xf32>
    %sub3A_146 = arith.subf %add3A_141, %mul3A_145 : vector<1024x128xf32>
    %lt3A_147 = arith.cmpf olt, %sub3A_146, %select_n3A_134 : vector<1024x128xf32>
    %select_n3A_148 = arith.select %lt3A_147, %sub3A_146, %select_n3A_134 : vector<1024x128xi1>, vector<1024x128xf32>
    %jit3A_149 = arith.constant 9.000000e+00 : f32
    %broadcast_in_dim3A_150 = vector.broadcast %jit3A_149 : f32 to vector<1024x128xf32>
    %select_n3A_151 = arith.select %lt3A_147, %broadcast_in_dim3A_150, %select_n3A_137 : vector<1024x128xi1>, vector<1024x128xf32>
    %slice3A_152 = vector.extract_strided_slice %get3A_11 {offsets = [0, 1280], sizes = [1, 128], strides = [1, 1]} : vector<1x8192xf32> to vector<1x128xf32>
    %add3A_153 = vector.broadcast %get3A_8 : vector<1024x1xf32> to vector<1024x128xf32>
    %add3A_154 = vector.broadcast %slice3A_152 : vector<1x128xf32> to vector<1024x128xf32>
    %add3A_155 = arith.addf %add3A_153, %add3A_154 : vector<1024x128xf32>
    %slice3A_156 = vector.extract_strided_slice %dot_general3A_5 {offsets = [0, 1280], sizes = [1024, 128], strides = [1, 1]} : vector<1024x8192xf32> to vector<1024x128xf32>
    %mul3A_157 = arith.constant 2.000000e+00 : f32
    %mul3A_158 = vector.broadcast %mul3A_157 : f32 to vector<1024x128xf32>
    %mul3A_159 = arith.mulf %mul3A_158, %slice3A_156 : vector<1024x128xf32>
    %sub3A_160 = arith.subf %add3A_155, %mul3A_159 : vector<1024x128xf32>
    %lt3A_161 = arith.cmpf olt, %sub3A_160, %select_n3A_148 : vector<1024x128xf32>
    %select_n3A_162 = arith.select %lt3A_161, %sub3A_160, %select_n3A_148 : vector<1024x128xi1>, vector<1024x128xf32>
    %jit3A_163 = arith.constant 1.000000e+01 : f32
    %broadcast_in_dim3A_164 = vector.broadcast %jit3A_163 : f32 to vector<1024x128xf32>
    %select_n3A_165 = arith.select %lt3A_161, %broadcast_in_dim3A_164, %select_n3A_151 : vector<1024x128xi1>, vector<1024x128xf32>
    %slice3A_166 = vector.extract_strided_slice %get3A_11 {offsets = [0, 1408], sizes = [1, 128], strides = [1, 1]} : vector<1x8192xf32> to vector<1x128xf32>
    %add3A_167 = vector.broadcast %get3A_8 : vector<1024x1xf32> to vector<1024x128xf32>
    %add3A_168 = vector.broadcast %slice3A_166 : vector<1x128xf32> to vector<1024x128xf32>
    %add3A_169 = arith.addf %add3A_167, %add3A_168 : vector<1024x128xf32>
    %slice3A_170 = vector.extract_strided_slice %dot_general3A_5 {offsets = [0, 1408], sizes = [1024, 128], strides = [1, 1]} : vector<1024x8192xf32> to vector<1024x128xf32>
    %mul3A_171 = arith.constant 2.000000e+00 : f32
    %mul3A_172 = vector.broadcast %mul3A_171 : f32 to vector<1024x128xf32>
    %mul3A_173 = arith.mulf %mul3A_172, %slice3A_170 : vector<1024x128xf32>
    %sub3A_174 = arith.subf %add3A_169, %mul3A_173 : vector<1024x128xf32>
    %lt3A_175 = arith.cmpf olt, %sub3A_174, %select_n3A_162 : vector<1024x128xf32>
    %select_n3A_176 = arith.select %lt3A_175, %sub3A_174, %select_n3A_162 : vector<1024x128xi1>, vector<1024x128xf32>
    %jit3A_177 = arith.constant 1.100000e+01 : f32
    %broadcast_in_dim3A_178 = vector.broadcast %jit3A_177 : f32 to vector<1024x128xf32>
    %select_n3A_179 = arith.select %lt3A_175, %broadcast_in_dim3A_178, %select_n3A_165 : vector<1024x128xi1>, vector<1024x128xf32>
    %slice3A_180 = vector.extract_strided_slice %get3A_11 {offsets = [0, 1536], sizes = [1, 128], strides = [1, 1]} : vector<1x8192xf32> to vector<1x128xf32>
    %add3A_181 = vector.broadcast %get3A_8 : vector<1024x1xf32> to vector<1024x128xf32>
    %add3A_182 = vector.broadcast %slice3A_180 : vector<1x128xf32> to vector<1024x128xf32>
    %add3A_183 = arith.addf %add3A_181, %add3A_182 : vector<1024x128xf32>
    %slice3A_184 = vector.extract_strided_slice %dot_general3A_5 {offsets = [0, 1536], sizes = [1024, 128], strides = [1, 1]} : vector<1024x8192xf32> to vector<1024x128xf32>
    %mul3A_185 = arith.constant 2.000000e+00 : f32
    %mul3A_186 = vector.broadcast %mul3A_185 : f32 to vector<1024x128xf32>
    %mul3A_187 = arith.mulf %mul3A_186, %slice3A_184 : vector<1024x128xf32>
    %sub3A_188 = arith.subf %add3A_183, %mul3A_187 : vector<1024x128xf32>
    %lt3A_189 = arith.cmpf olt, %sub3A_188, %select_n3A_176 : vector<1024x128xf32>
    %select_n3A_190 = arith.select %lt3A_189, %sub3A_188, %select_n3A_176 : vector<1024x128xi1>, vector<1024x128xf32>
    %jit3A_191 = arith.constant 1.200000e+01 : f32
    %broadcast_in_dim3A_192 = vector.broadcast %jit3A_191 : f32 to vector<1024x128xf32>
    %select_n3A_193 = arith.select %lt3A_189, %broadcast_in_dim3A_192, %select_n3A_179 : vector<1024x128xi1>, vector<1024x128xf32>
    %slice3A_194 = vector.extract_strided_slice %get3A_11 {offsets = [0, 1664], sizes = [1, 128], strides = [1, 1]} : vector<1x8192xf32> to vector<1x128xf32>
    %add3A_195 = vector.broadcast %get3A_8 : vector<1024x1xf32> to vector<1024x128xf32>
    %add3A_196 = vector.broadcast %slice3A_194 : vector<1x128xf32> to vector<1024x128xf32>
    %add3A_197 = arith.addf %add3A_195, %add3A_196 : vector<1024x128xf32>
    %slice3A_198 = vector.extract_strided_slice %dot_general3A_5 {offsets = [0, 1664], sizes = [1024, 128], strides = [1, 1]} : vector<1024x8192xf32> to vector<1024x128xf32>
    %mul3A_199 = arith.constant 2.000000e+00 : f32
    %mul3A_200 = vector.broadcast %mul3A_199 : f32 to vector<1024x128xf32>
    %mul3A_201 = arith.mulf %mul3A_200, %slice3A_198 : vector<1024x128xf32>
    %sub3A_202 = arith.subf %add3A_197, %mul3A_201 : vector<1024x128xf32>
    %lt3A_203 = arith.cmpf olt, %sub3A_202, %select_n3A_190 : vector<1024x128xf32>
    %select_n3A_204 = arith.select %lt3A_203, %sub3A_202, %select_n3A_190 : vector<1024x128xi1>, vector<1024x128xf32>
    %jit3A_205 = arith.constant 1.300000e+01 : f32
    %broadcast_in_dim3A_206 = vector.broadcast %jit3A_205 : f32 to vector<1024x128xf32>
    %select_n3A_207 = arith.select %lt3A_203, %broadcast_in_dim3A_206, %select_n3A_193 : vector<1024x128xi1>, vector<1024x128xf32>
    %slice3A_208 = vector.extract_strided_slice %get3A_11 {offsets = [0, 1792], sizes = [1, 128], strides = [1, 1]} : vector<1x8192xf32> to vector<1x128xf32>
    %add3A_209 = vector.broadcast %get3A_8 : vector<1024x1xf32> to vector<1024x128xf32>
    %add3A_210 = vector.broadcast %slice3A_208 : vector<1x128xf32> to vector<1024x128xf32>
    %add3A_211 = arith.addf %add3A_209, %add3A_210 : vector<1024x128xf32>
    %slice3A_212 = vector.extract_strided_slice %dot_general3A_5 {offsets = [0, 1792], sizes = [1024, 128], strides = [1, 1]} : vector<1024x8192xf32> to vector<1024x128xf32>
    %mul3A_213 = arith.constant 2.000000e+00 : f32
    %mul3A_214 = vector.broadcast %mul3A_213 : f32 to vector<1024x128xf32>
    %mul3A_215 = arith.mulf %mul3A_214, %slice3A_212 : vector<1024x128xf32>
    %sub3A_216 = arith.subf %add3A_211, %mul3A_215 : vector<1024x128xf32>
    %lt3A_217 = arith.cmpf olt, %sub3A_216, %select_n3A_204 : vector<1024x128xf32>
    %select_n3A_218 = arith.select %lt3A_217, %sub3A_216, %select_n3A_204 : vector<1024x128xi1>, vector<1024x128xf32>
    %jit3A_219 = arith.constant 1.400000e+01 : f32
    %broadcast_in_dim3A_220 = vector.broadcast %jit3A_219 : f32 to vector<1024x128xf32>
    %select_n3A_221 = arith.select %lt3A_217, %broadcast_in_dim3A_220, %select_n3A_207 : vector<1024x128xi1>, vector<1024x128xf32>
    %slice3A_222 = vector.extract_strided_slice %get3A_11 {offsets = [0, 1920], sizes = [1, 128], strides = [1, 1]} : vector<1x8192xf32> to vector<1x128xf32>
    %add3A_223 = vector.broadcast %get3A_8 : vector<1024x1xf32> to vector<1024x128xf32>
    %add3A_224 = vector.broadcast %slice3A_222 : vector<1x128xf32> to vector<1024x128xf32>
    %add3A_225 = arith.addf %add3A_223, %add3A_224 : vector<1024x128xf32>
    %slice3A_226 = vector.extract_strided_slice %dot_general3A_5 {offsets = [0, 1920], sizes = [1024, 128], strides = [1, 1]} : vector<1024x8192xf32> to vector<1024x128xf32>
    %mul3A_227 = arith.constant 2.000000e+00 : f32
    %mul3A_228 = vector.broadcast %mul3A_227 : f32 to vector<1024x128xf32>
    %mul3A_229 = arith.mulf %mul3A_228, %slice3A_226 : vector<1024x128xf32>
    %sub3A_230 = arith.subf %add3A_225, %mul3A_229 : vector<1024x128xf32>
    %lt3A_231 = arith.cmpf olt, %sub3A_230, %select_n3A_218 : vector<1024x128xf32>
    %select_n3A_232 = arith.select %lt3A_231, %sub3A_230, %select_n3A_218 : vector<1024x128xi1>, vector<1024x128xf32>
    %jit3A_233 = arith.constant 1.500000e+01 : f32
    %broadcast_in_dim3A_234 = vector.broadcast %jit3A_233 : f32 to vector<1024x128xf32>
    %select_n3A_235 = arith.select %lt3A_231, %broadcast_in_dim3A_234, %select_n3A_221 : vector<1024x128xi1>, vector<1024x128xf32>
    %slice3A_236 = vector.extract_strided_slice %get3A_11 {offsets = [0, 2048], sizes = [1, 128], strides = [1, 1]} : vector<1x8192xf32> to vector<1x128xf32>
    %add3A_237 = vector.broadcast %get3A_8 : vector<1024x1xf32> to vector<1024x128xf32>
    %add3A_238 = vector.broadcast %slice3A_236 : vector<1x128xf32> to vector<1024x128xf32>
    %add3A_239 = arith.addf %add3A_237, %add3A_238 : vector<1024x128xf32>
    %slice3A_240 = vector.extract_strided_slice %dot_general3A_5 {offsets = [0, 2048], sizes = [1024, 128], strides = [1, 1]} : vector<1024x8192xf32> to vector<1024x128xf32>
    %mul3A_241 = arith.constant 2.000000e+00 : f32
    %mul3A_242 = vector.broadcast %mul3A_241 : f32 to vector<1024x128xf32>
    %mul3A_243 = arith.mulf %mul3A_242, %slice3A_240 : vector<1024x128xf32>
    %sub3A_244 = arith.subf %add3A_239, %mul3A_243 : vector<1024x128xf32>
    %lt3A_245 = arith.cmpf olt, %sub3A_244, %select_n3A_232 : vector<1024x128xf32>
    %select_n3A_246 = arith.select %lt3A_245, %sub3A_244, %select_n3A_232 : vector<1024x128xi1>, vector<1024x128xf32>
    %jit3A_247 = arith.constant 1.600000e+01 : f32
    %broadcast_in_dim3A_248 = vector.broadcast %jit3A_247 : f32 to vector<1024x128xf32>
    %select_n3A_249 = arith.select %lt3A_245, %broadcast_in_dim3A_248, %select_n3A_235 : vector<1024x128xi1>, vector<1024x128xf32>
    %slice3A_250 = vector.extract_strided_slice %get3A_11 {offsets = [0, 2176], sizes = [1, 128], strides = [1, 1]} : vector<1x8192xf32> to vector<1x128xf32>
    %add3A_251 = vector.broadcast %get3A_8 : vector<1024x1xf32> to vector<1024x128xf32>
    %add3A_252 = vector.broadcast %slice3A_250 : vector<1x128xf32> to vector<1024x128xf32>
    %add3A_253 = arith.addf %add3A_251, %add3A_252 : vector<1024x128xf32>
    %slice3A_254 = vector.extract_strided_slice %dot_general3A_5 {offsets = [0, 2176], sizes = [1024, 128], strides = [1, 1]} : vector<1024x8192xf32> to vector<1024x128xf32>
    %mul3A_255 = arith.constant 2.000000e+00 : f32
    %mul3A_256 = vector.broadcast %mul3A_255 : f32 to vector<1024x128xf32>
    %mul3A_257 = arith.mulf %mul3A_256, %slice3A_254 : vector<1024x128xf32>
    %sub3A_258 = arith.subf %add3A_253, %mul3A_257 : vector<1024x128xf32>
    %lt3A_259 = arith.cmpf olt, %sub3A_258, %select_n3A_246 : vector<1024x128xf32>
    %select_n3A_260 = arith.select %lt3A_259, %sub3A_258, %select_n3A_246 : vector<1024x128xi1>, vector<1024x128xf32>
    %jit3A_261 = arith.constant 1.700000e+01 : f32
    %broadcast_in_dim3A_262 = vector.broadcast %jit3A_261 : f32 to vector<1024x128xf32>
    %select_n3A_263 = arith.select %lt3A_259, %broadcast_in_dim3A_262, %select_n3A_249 : vector<1024x128xi1>, vector<1024x128xf32>
    %slice3A_264 = vector.extract_strided_slice %get3A_11 {offsets = [0, 2304], sizes = [1, 128], strides = [1, 1]} : vector<1x8192xf32> to vector<1x128xf32>
    %add3A_265 = vector.broadcast %get3A_8 : vector<1024x1xf32> to vector<1024x128xf32>
    %add3A_266 = vector.broadcast %slice3A_264 : vector<1x128xf32> to vector<1024x128xf32>
    %add3A_267 = arith.addf %add3A_265, %add3A_266 : vector<1024x128xf32>
    %slice3A_268 = vector.extract_strided_slice %dot_general3A_5 {offsets = [0, 2304], sizes = [1024, 128], strides = [1, 1]} : vector<1024x8192xf32> to vector<1024x128xf32>
    %mul3A_269 = arith.constant 2.000000e+00 : f32
    %mul3A_270 = vector.broadcast %mul3A_269 : f32 to vector<1024x128xf32>
    %mul3A_271 = arith.mulf %mul3A_270, %slice3A_268 : vector<1024x128xf32>
    %sub3A_272 = arith.subf %add3A_267, %mul3A_271 : vector<1024x128xf32>
    %lt3A_273 = arith.cmpf olt, %sub3A_272, %select_n3A_260 : vector<1024x128xf32>
    %select_n3A_274 = arith.select %lt3A_273, %sub3A_272, %select_n3A_260 : vector<1024x128xi1>, vector<1024x128xf32>
    %jit3A_275 = arith.constant 1.800000e+01 : f32
    %broadcast_in_dim3A_276 = vector.broadcast %jit3A_275 : f32 to vector<1024x128xf32>
    %select_n3A_277 = arith.select %lt3A_273, %broadcast_in_dim3A_276, %select_n3A_263 : vector<1024x128xi1>, vector<1024x128xf32>
    %slice3A_278 = vector.extract_strided_slice %get3A_11 {offsets = [0, 2432], sizes = [1, 128], strides = [1, 1]} : vector<1x8192xf32> to vector<1x128xf32>
    %add3A_279 = vector.broadcast %get3A_8 : vector<1024x1xf32> to vector<1024x128xf32>
    %add3A_280 = vector.broadcast %slice3A_278 : vector<1x128xf32> to vector<1024x128xf32>
    %add3A_281 = arith.addf %add3A_279, %add3A_280 : vector<1024x128xf32>
    %slice3A_282 = vector.extract_strided_slice %dot_general3A_5 {offsets = [0, 2432], sizes = [1024, 128], strides = [1, 1]} : vector<1024x8192xf32> to vector<1024x128xf32>
    %mul3A_283 = arith.constant 2.000000e+00 : f32
    %mul3A_284 = vector.broadcast %mul3A_283 : f32 to vector<1024x128xf32>
    %mul3A_285 = arith.mulf %mul3A_284, %slice3A_282 : vector<1024x128xf32>
    %sub3A_286 = arith.subf %add3A_281, %mul3A_285 : vector<1024x128xf32>
    %lt3A_287 = arith.cmpf olt, %sub3A_286, %select_n3A_274 : vector<1024x128xf32>
    %select_n3A_288 = arith.select %lt3A_287, %sub3A_286, %select_n3A_274 : vector<1024x128xi1>, vector<1024x128xf32>
    %jit3A_289 = arith.constant 1.900000e+01 : f32
    %broadcast_in_dim3A_290 = vector.broadcast %jit3A_289 : f32 to vector<1024x128xf32>
    %select_n3A_291 = arith.select %lt3A_287, %broadcast_in_dim3A_290, %select_n3A_277 : vector<1024x128xi1>, vector<1024x128xf32>
    %slice3A_292 = vector.extract_strided_slice %get3A_11 {offsets = [0, 2560], sizes = [1, 128], strides = [1, 1]} : vector<1x8192xf32> to vector<1x128xf32>
    %add3A_293 = vector.broadcast %get3A_8 : vector<1024x1xf32> to vector<1024x128xf32>
    %add3A_294 = vector.broadcast %slice3A_292 : vector<1x128xf32> to vector<1024x128xf32>
    %add3A_295 = arith.addf %add3A_293, %add3A_294 : vector<1024x128xf32>
    %slice3A_296 = vector.extract_strided_slice %dot_general3A_5 {offsets = [0, 2560], sizes = [1024, 128], strides = [1, 1]} : vector<1024x8192xf32> to vector<1024x128xf32>
    %mul3A_297 = arith.constant 2.000000e+00 : f32
    %mul3A_298 = vector.broadcast %mul3A_297 : f32 to vector<1024x128xf32>
    %mul3A_299 = arith.mulf %mul3A_298, %slice3A_296 : vector<1024x128xf32>
    %sub3A_300 = arith.subf %add3A_295, %mul3A_299 : vector<1024x128xf32>
    %lt3A_301 = arith.cmpf olt, %sub3A_300, %select_n3A_288 : vector<1024x128xf32>
    %select_n3A_302 = arith.select %lt3A_301, %sub3A_300, %select_n3A_288 : vector<1024x128xi1>, vector<1024x128xf32>
    %jit3A_303 = arith.constant 2.000000e+01 : f32
    %broadcast_in_dim3A_304 = vector.broadcast %jit3A_303 : f32 to vector<1024x128xf32>
    %select_n3A_305 = arith.select %lt3A_301, %broadcast_in_dim3A_304, %select_n3A_291 : vector<1024x128xi1>, vector<1024x128xf32>
    %slice3A_306 = vector.extract_strided_slice %get3A_11 {offsets = [0, 2688], sizes = [1, 128], strides = [1, 1]} : vector<1x8192xf32> to vector<1x128xf32>
    %add3A_307 = vector.broadcast %get3A_8 : vector<1024x1xf32> to vector<1024x128xf32>
    %add3A_308 = vector.broadcast %slice3A_306 : vector<1x128xf32> to vector<1024x128xf32>
    %add3A_309 = arith.addf %add3A_307, %add3A_308 : vector<1024x128xf32>
    %slice3A_310 = vector.extract_strided_slice %dot_general3A_5 {offsets = [0, 2688], sizes = [1024, 128], strides = [1, 1]} : vector<1024x8192xf32> to vector<1024x128xf32>
    %mul3A_311 = arith.constant 2.000000e+00 : f32
    %mul3A_312 = vector.broadcast %mul3A_311 : f32 to vector<1024x128xf32>
    %mul3A_313 = arith.mulf %mul3A_312, %slice3A_310 : vector<1024x128xf32>
    %sub3A_314 = arith.subf %add3A_309, %mul3A_313 : vector<1024x128xf32>
    %lt3A_315 = arith.cmpf olt, %sub3A_314, %select_n3A_302 : vector<1024x128xf32>
    %select_n3A_316 = arith.select %lt3A_315, %sub3A_314, %select_n3A_302 : vector<1024x128xi1>, vector<1024x128xf32>
    %jit3A_317 = arith.constant 2.100000e+01 : f32
    %broadcast_in_dim3A_318 = vector.broadcast %jit3A_317 : f32 to vector<1024x128xf32>
    %select_n3A_319 = arith.select %lt3A_315, %broadcast_in_dim3A_318, %select_n3A_305 : vector<1024x128xi1>, vector<1024x128xf32>
    %slice3A_320 = vector.extract_strided_slice %get3A_11 {offsets = [0, 2816], sizes = [1, 128], strides = [1, 1]} : vector<1x8192xf32> to vector<1x128xf32>
    %add3A_321 = vector.broadcast %get3A_8 : vector<1024x1xf32> to vector<1024x128xf32>
    %add3A_322 = vector.broadcast %slice3A_320 : vector<1x128xf32> to vector<1024x128xf32>
    %add3A_323 = arith.addf %add3A_321, %add3A_322 : vector<1024x128xf32>
    %slice3A_324 = vector.extract_strided_slice %dot_general3A_5 {offsets = [0, 2816], sizes = [1024, 128], strides = [1, 1]} : vector<1024x8192xf32> to vector<1024x128xf32>
    %mul3A_325 = arith.constant 2.000000e+00 : f32
    %mul3A_326 = vector.broadcast %mul3A_325 : f32 to vector<1024x128xf32>
    %mul3A_327 = arith.mulf %mul3A_326, %slice3A_324 : vector<1024x128xf32>
    %sub3A_328 = arith.subf %add3A_323, %mul3A_327 : vector<1024x128xf32>
    %lt3A_329 = arith.cmpf olt, %sub3A_328, %select_n3A_316 : vector<1024x128xf32>
    %select_n3A_330 = arith.select %lt3A_329, %sub3A_328, %select_n3A_316 : vector<1024x128xi1>, vector<1024x128xf32>
    %jit3A_331 = arith.constant 2.200000e+01 : f32
    %broadcast_in_dim3A_332 = vector.broadcast %jit3A_331 : f32 to vector<1024x128xf32>
    %select_n3A_333 = arith.select %lt3A_329, %broadcast_in_dim3A_332, %select_n3A_319 : vector<1024x128xi1>, vector<1024x128xf32>
    %slice3A_334 = vector.extract_strided_slice %get3A_11 {offsets = [0, 2944], sizes = [1, 128], strides = [1, 1]} : vector<1x8192xf32> to vector<1x128xf32>
    %add3A_335 = vector.broadcast %get3A_8 : vector<1024x1xf32> to vector<1024x128xf32>
    %add3A_336 = vector.broadcast %slice3A_334 : vector<1x128xf32> to vector<1024x128xf32>
    %add3A_337 = arith.addf %add3A_335, %add3A_336 : vector<1024x128xf32>
    %slice3A_338 = vector.extract_strided_slice %dot_general3A_5 {offsets = [0, 2944], sizes = [1024, 128], strides = [1, 1]} : vector<1024x8192xf32> to vector<1024x128xf32>
    %mul3A_339 = arith.constant 2.000000e+00 : f32
    %mul3A_340 = vector.broadcast %mul3A_339 : f32 to vector<1024x128xf32>
    %mul3A_341 = arith.mulf %mul3A_340, %slice3A_338 : vector<1024x128xf32>
    %sub3A_342 = arith.subf %add3A_337, %mul3A_341 : vector<1024x128xf32>
    %lt3A_343 = arith.cmpf olt, %sub3A_342, %select_n3A_330 : vector<1024x128xf32>
    %select_n3A_344 = arith.select %lt3A_343, %sub3A_342, %select_n3A_330 : vector<1024x128xi1>, vector<1024x128xf32>
    %jit3A_345 = arith.constant 2.300000e+01 : f32
    %broadcast_in_dim3A_346 = vector.broadcast %jit3A_345 : f32 to vector<1024x128xf32>
    %select_n3A_347 = arith.select %lt3A_343, %broadcast_in_dim3A_346, %select_n3A_333 : vector<1024x128xi1>, vector<1024x128xf32>
    %slice3A_348 = vector.extract_strided_slice %get3A_11 {offsets = [0, 3072], sizes = [1, 128], strides = [1, 1]} : vector<1x8192xf32> to vector<1x128xf32>
    %add3A_349 = vector.broadcast %get3A_8 : vector<1024x1xf32> to vector<1024x128xf32>
    %add3A_350 = vector.broadcast %slice3A_348 : vector<1x128xf32> to vector<1024x128xf32>
    %add3A_351 = arith.addf %add3A_349, %add3A_350 : vector<1024x128xf32>
    %slice3A_352 = vector.extract_strided_slice %dot_general3A_5 {offsets = [0, 3072], sizes = [1024, 128], strides = [1, 1]} : vector<1024x8192xf32> to vector<1024x128xf32>
    %mul3A_353 = arith.constant 2.000000e+00 : f32
    %mul3A_354 = vector.broadcast %mul3A_353 : f32 to vector<1024x128xf32>
    %mul3A_355 = arith.mulf %mul3A_354, %slice3A_352 : vector<1024x128xf32>
    %sub3A_356 = arith.subf %add3A_351, %mul3A_355 : vector<1024x128xf32>
    %lt3A_357 = arith.cmpf olt, %sub3A_356, %select_n3A_344 : vector<1024x128xf32>
    %select_n3A_358 = arith.select %lt3A_357, %sub3A_356, %select_n3A_344 : vector<1024x128xi1>, vector<1024x128xf32>
    %jit3A_359 = arith.constant 2.400000e+01 : f32
    %broadcast_in_dim3A_360 = vector.broadcast %jit3A_359 : f32 to vector<1024x128xf32>
    %select_n3A_361 = arith.select %lt3A_357, %broadcast_in_dim3A_360, %select_n3A_347 : vector<1024x128xi1>, vector<1024x128xf32>
    %slice3A_362 = vector.extract_strided_slice %get3A_11 {offsets = [0, 3200], sizes = [1, 128], strides = [1, 1]} : vector<1x8192xf32> to vector<1x128xf32>
    %add3A_363 = vector.broadcast %get3A_8 : vector<1024x1xf32> to vector<1024x128xf32>
    %add3A_364 = vector.broadcast %slice3A_362 : vector<1x128xf32> to vector<1024x128xf32>
    %add3A_365 = arith.addf %add3A_363, %add3A_364 : vector<1024x128xf32>
    %slice3A_366 = vector.extract_strided_slice %dot_general3A_5 {offsets = [0, 3200], sizes = [1024, 128], strides = [1, 1]} : vector<1024x8192xf32> to vector<1024x128xf32>
    %mul3A_367 = arith.constant 2.000000e+00 : f32
    %mul3A_368 = vector.broadcast %mul3A_367 : f32 to vector<1024x128xf32>
    %mul3A_369 = arith.mulf %mul3A_368, %slice3A_366 : vector<1024x128xf32>
    %sub3A_370 = arith.subf %add3A_365, %mul3A_369 : vector<1024x128xf32>
    %lt3A_371 = arith.cmpf olt, %sub3A_370, %select_n3A_358 : vector<1024x128xf32>
    %select_n3A_372 = arith.select %lt3A_371, %sub3A_370, %select_n3A_358 : vector<1024x128xi1>, vector<1024x128xf32>
    %jit3A_373 = arith.constant 2.500000e+01 : f32
    %broadcast_in_dim3A_374 = vector.broadcast %jit3A_373 : f32 to vector<1024x128xf32>
    %select_n3A_375 = arith.select %lt3A_371, %broadcast_in_dim3A_374, %select_n3A_361 : vector<1024x128xi1>, vector<1024x128xf32>
    %slice3A_376 = vector.extract_strided_slice %get3A_11 {offsets = [0, 3328], sizes = [1, 128], strides = [1, 1]} : vector<1x8192xf32> to vector<1x128xf32>
    %add3A_377 = vector.broadcast %get3A_8 : vector<1024x1xf32> to vector<1024x128xf32>
    %add3A_378 = vector.broadcast %slice3A_376 : vector<1x128xf32> to vector<1024x128xf32>
    %add3A_379 = arith.addf %add3A_377, %add3A_378 : vector<1024x128xf32>
    %slice3A_380 = vector.extract_strided_slice %dot_general3A_5 {offsets = [0, 3328], sizes = [1024, 128], strides = [1, 1]} : vector<1024x8192xf32> to vector<1024x128xf32>
    %mul3A_381 = arith.constant 2.000000e+00 : f32
    %mul3A_382 = vector.broadcast %mul3A_381 : f32 to vector<1024x128xf32>
    %mul3A_383 = arith.mulf %mul3A_382, %slice3A_380 : vector<1024x128xf32>
    %sub3A_384 = arith.subf %add3A_379, %mul3A_383 : vector<1024x128xf32>
    %lt3A_385 = arith.cmpf olt, %sub3A_384, %select_n3A_372 : vector<1024x128xf32>
    %select_n3A_386 = arith.select %lt3A_385, %sub3A_384, %select_n3A_372 : vector<1024x128xi1>, vector<1024x128xf32>
    %jit3A_387 = arith.constant 2.600000e+01 : f32
    %broadcast_in_dim3A_388 = vector.broadcast %jit3A_387 : f32 to vector<1024x128xf32>
    %select_n3A_389 = arith.select %lt3A_385, %broadcast_in_dim3A_388, %select_n3A_375 : vector<1024x128xi1>, vector<1024x128xf32>
    %slice3A_390 = vector.extract_strided_slice %get3A_11 {offsets = [0, 3456], sizes = [1, 128], strides = [1, 1]} : vector<1x8192xf32> to vector<1x128xf32>
    %add3A_391 = vector.broadcast %get3A_8 : vector<1024x1xf32> to vector<1024x128xf32>
    %add3A_392 = vector.broadcast %slice3A_390 : vector<1x128xf32> to vector<1024x128xf32>
    %add3A_393 = arith.addf %add3A_391, %add3A_392 : vector<1024x128xf32>
    %slice3A_394 = vector.extract_strided_slice %dot_general3A_5 {offsets = [0, 3456], sizes = [1024, 128], strides = [1, 1]} : vector<1024x8192xf32> to vector<1024x128xf32>
    %mul3A_395 = arith.constant 2.000000e+00 : f32
    %mul3A_396 = vector.broadcast %mul3A_395 : f32 to vector<1024x128xf32>
    %mul3A_397 = arith.mulf %mul3A_396, %slice3A_394 : vector<1024x128xf32>
    %sub3A_398 = arith.subf %add3A_393, %mul3A_397 : vector<1024x128xf32>
    %lt3A_399 = arith.cmpf olt, %sub3A_398, %select_n3A_386 : vector<1024x128xf32>
    %select_n3A_400 = arith.select %lt3A_399, %sub3A_398, %select_n3A_386 : vector<1024x128xi1>, vector<1024x128xf32>
    %jit3A_401 = arith.constant 2.700000e+01 : f32
    %broadcast_in_dim3A_402 = vector.broadcast %jit3A_401 : f32 to vector<1024x128xf32>
    %select_n3A_403 = arith.select %lt3A_399, %broadcast_in_dim3A_402, %select_n3A_389 : vector<1024x128xi1>, vector<1024x128xf32>
    %slice3A_404 = vector.extract_strided_slice %get3A_11 {offsets = [0, 3584], sizes = [1, 128], strides = [1, 1]} : vector<1x8192xf32> to vector<1x128xf32>
    %add3A_405 = vector.broadcast %get3A_8 : vector<1024x1xf32> to vector<1024x128xf32>
    %add3A_406 = vector.broadcast %slice3A_404 : vector<1x128xf32> to vector<1024x128xf32>
    %add3A_407 = arith.addf %add3A_405, %add3A_406 : vector<1024x128xf32>
    %slice3A_408 = vector.extract_strided_slice %dot_general3A_5 {offsets = [0, 3584], sizes = [1024, 128], strides = [1, 1]} : vector<1024x8192xf32> to vector<1024x128xf32>
    %mul3A_409 = arith.constant 2.000000e+00 : f32
    %mul3A_410 = vector.broadcast %mul3A_409 : f32 to vector<1024x128xf32>
    %mul3A_411 = arith.mulf %mul3A_410, %slice3A_408 : vector<1024x128xf32>
    %sub3A_412 = arith.subf %add3A_407, %mul3A_411 : vector<1024x128xf32>
    %lt3A_413 = arith.cmpf olt, %sub3A_412, %select_n3A_400 : vector<1024x128xf32>
    %select_n3A_414 = arith.select %lt3A_413, %sub3A_412, %select_n3A_400 : vector<1024x128xi1>, vector<1024x128xf32>
    %jit3A_415 = arith.constant 2.800000e+01 : f32
    %broadcast_in_dim3A_416 = vector.broadcast %jit3A_415 : f32 to vector<1024x128xf32>
    %select_n3A_417 = arith.select %lt3A_413, %broadcast_in_dim3A_416, %select_n3A_403 : vector<1024x128xi1>, vector<1024x128xf32>
    %slice3A_418 = vector.extract_strided_slice %get3A_11 {offsets = [0, 3712], sizes = [1, 128], strides = [1, 1]} : vector<1x8192xf32> to vector<1x128xf32>
    %add3A_419 = vector.broadcast %get3A_8 : vector<1024x1xf32> to vector<1024x128xf32>
    %add3A_420 = vector.broadcast %slice3A_418 : vector<1x128xf32> to vector<1024x128xf32>
    %add3A_421 = arith.addf %add3A_419, %add3A_420 : vector<1024x128xf32>
    %slice3A_422 = vector.extract_strided_slice %dot_general3A_5 {offsets = [0, 3712], sizes = [1024, 128], strides = [1, 1]} : vector<1024x8192xf32> to vector<1024x128xf32>
    %mul3A_423 = arith.constant 2.000000e+00 : f32
    %mul3A_424 = vector.broadcast %mul3A_423 : f32 to vector<1024x128xf32>
    %mul3A_425 = arith.mulf %mul3A_424, %slice3A_422 : vector<1024x128xf32>
    %sub3A_426 = arith.subf %add3A_421, %mul3A_425 : vector<1024x128xf32>
    %lt3A_427 = arith.cmpf olt, %sub3A_426, %select_n3A_414 : vector<1024x128xf32>
    %select_n3A_428 = arith.select %lt3A_427, %sub3A_426, %select_n3A_414 : vector<1024x128xi1>, vector<1024x128xf32>
    %jit3A_429 = arith.constant 2.900000e+01 : f32
    %broadcast_in_dim3A_430 = vector.broadcast %jit3A_429 : f32 to vector<1024x128xf32>
    %select_n3A_431 = arith.select %lt3A_427, %broadcast_in_dim3A_430, %select_n3A_417 : vector<1024x128xi1>, vector<1024x128xf32>
    %slice3A_432 = vector.extract_strided_slice %get3A_11 {offsets = [0, 3840], sizes = [1, 128], strides = [1, 1]} : vector<1x8192xf32> to vector<1x128xf32>
    %add3A_433 = vector.broadcast %get3A_8 : vector<1024x1xf32> to vector<1024x128xf32>
    %add3A_434 = vector.broadcast %slice3A_432 : vector<1x128xf32> to vector<1024x128xf32>
    %add3A_435 = arith.addf %add3A_433, %add3A_434 : vector<1024x128xf32>
    %slice3A_436 = vector.extract_strided_slice %dot_general3A_5 {offsets = [0, 3840], sizes = [1024, 128], strides = [1, 1]} : vector<1024x8192xf32> to vector<1024x128xf32>
    %mul3A_437 = arith.constant 2.000000e+00 : f32
    %mul3A_438 = vector.broadcast %mul3A_437 : f32 to vector<1024x128xf32>
    %mul3A_439 = arith.mulf %mul3A_438, %slice3A_436 : vector<1024x128xf32>
    %sub3A_440 = arith.subf %add3A_435, %mul3A_439 : vector<1024x128xf32>
    %lt3A_441 = arith.cmpf olt, %sub3A_440, %select_n3A_428 : vector<1024x128xf32>
    %select_n3A_442 = arith.select %lt3A_441, %sub3A_440, %select_n3A_428 : vector<1024x128xi1>, vector<1024x128xf32>
    %jit3A_443 = arith.constant 3.000000e+01 : f32
    %broadcast_in_dim3A_444 = vector.broadcast %jit3A_443 : f32 to vector<1024x128xf32>
    %select_n3A_445 = arith.select %lt3A_441, %broadcast_in_dim3A_444, %select_n3A_431 : vector<1024x128xi1>, vector<1024x128xf32>
    %slice3A_446 = vector.extract_strided_slice %get3A_11 {offsets = [0, 3968], sizes = [1, 128], strides = [1, 1]} : vector<1x8192xf32> to vector<1x128xf32>
    %add3A_447 = vector.broadcast %get3A_8 : vector<1024x1xf32> to vector<1024x128xf32>
    %add3A_448 = vector.broadcast %slice3A_446 : vector<1x128xf32> to vector<1024x128xf32>
    %add3A_449 = arith.addf %add3A_447, %add3A_448 : vector<1024x128xf32>
    %slice3A_450 = vector.extract_strided_slice %dot_general3A_5 {offsets = [0, 3968], sizes = [1024, 128], strides = [1, 1]} : vector<1024x8192xf32> to vector<1024x128xf32>
    %mul3A_451 = arith.constant 2.000000e+00 : f32
    %mul3A_452 = vector.broadcast %mul3A_451 : f32 to vector<1024x128xf32>
    %mul3A_453 = arith.mulf %mul3A_452, %slice3A_450 : vector<1024x128xf32>
    %sub3A_454 = arith.subf %add3A_449, %mul3A_453 : vector<1024x128xf32>
    %lt3A_455 = arith.cmpf olt, %sub3A_454, %select_n3A_442 : vector<1024x128xf32>
    %select_n3A_456 = arith.select %lt3A_455, %sub3A_454, %select_n3A_442 : vector<1024x128xi1>, vector<1024x128xf32>
    %jit3A_457 = arith.constant 3.100000e+01 : f32
    %broadcast_in_dim3A_458 = vector.broadcast %jit3A_457 : f32 to vector<1024x128xf32>
    %select_n3A_459 = arith.select %lt3A_455, %broadcast_in_dim3A_458, %select_n3A_445 : vector<1024x128xi1>, vector<1024x128xf32>
    %reduce_min3A = arith.constant dense<0x7F800000> : vector<1024xf32>
    %reduce_min3A_460 = vector.multi_reduction <minimumf>, %select_n3A_456, %reduce_min3A [1] : vector<1024x128xf32> to vector<1024xf32>
    %broadcast_in_dim3A_461 = vector.shape_cast %reduce_min3A_460 : vector<1024xf32> to vector<1024x1xf32>
    %mul3A_462 = arith.constant 1.280000e+02 : f32
    %mul3A_463 = vector.broadcast %mul3A_462 : f32 to vector<1024x128xf32>
    %mul3A_464 = arith.mulf %select_n3A_459, %mul3A_463 : vector<1024x128xf32>
    %add3A_465 = arith.addf %mul3A_464, %convert_element_type3A : vector<1024x128xf32>
    %add3A_466 = arith.constant 0.000000e+00 : f32
    %add3A_467 = vector.broadcast %add3A_466 : f32 to vector<1024x128xf32>
    %add3A_468 = arith.addf %add3A_465, %add3A_467 : vector<1024x128xf32>
    %eq3A = vector.broadcast %broadcast_in_dim3A_461 : vector<1024x1xf32> to vector<1024x128xf32>
    %eq3A_469 = arith.cmpf oeq, %select_n3A_456, %eq3A : vector<1024x128xf32>
    %jit3A_470 = arith.constant 8.192000e+03 : f32
    %broadcast_in_dim3A_471 = vector.broadcast %jit3A_470 : f32 to vector<1024x128xf32>
    %select_n3A_472 = arith.select %eq3A_469, %add3A_468, %broadcast_in_dim3A_471 : vector<1024x128xi1>, vector<1024x128xf32>
    %reduce_min3A_473 = arith.constant dense<0x7F800000> : vector<1024xf32>
    %reduce_min3A_474 = vector.multi_reduction <minimumf>, %select_n3A_472, %reduce_min3A_473 [1] : vector<1024x128xf32> to vector<1024xf32>
    %broadcast_in_dim3A_475 = vector.shape_cast %reduce_min3A_474 : vector<1024xf32> to vector<1024x1xf32>
    %lt3A_476 = arith.cmpf olt, %broadcast_in_dim3A_461, %broadcast_in_dim3A_12 : vector<1024x1xf32>
    %convert_element_type3A_477 = arith.truncf %broadcast_in_dim3A_461 : vector<1024x1xf32> to vector<1024x1xbf16>
    %convert_element_type3A_478 = arith.extf %convert_element_type3A_477 : vector<1024x1xbf16> to vector<1024x1xf32>
    %select_n3A_479 = arith.select %lt3A_476, %convert_element_type3A_478, %broadcast_in_dim3A_12 : vector<1024x1xi1>, vector<1024x1xf32>
    %select_n3A_480 = arith.select %lt3A_476, %broadcast_in_dim3A_475, %broadcast_in_dim3A_14 : vector<1024x1xi1>, vector<1024x1xf32>
    %broadcast_in_dim3A_481 = arith.constant 0x7F800000 : f32
    %broadcast_in_dim3A_482 = vector.broadcast %broadcast_in_dim3A_481 : f32 to vector<1024x128xf32>
    %broadcast_in_dim3A_483 = arith.constant 0.000000e+00 : f32
    %broadcast_in_dim3A_484 = vector.broadcast %broadcast_in_dim3A_483 : f32 to vector<1024x128xf32>
    %slice3A_485 = vector.extract_strided_slice %get3A_11 {offsets = [0, 4096], sizes = [1, 128], strides = [1, 1]} : vector<1x8192xf32> to vector<1x128xf32>
    %add3A_486 = vector.broadcast %get3A_8 : vector<1024x1xf32> to vector<1024x128xf32>
    %add3A_487 = vector.broadcast %slice3A_485 : vector<1x128xf32> to vector<1024x128xf32>
    %add3A_488 = arith.addf %add3A_486, %add3A_487 : vector<1024x128xf32>
    %slice3A_489 = vector.extract_strided_slice %dot_general3A_5 {offsets = [0, 4096], sizes = [1024, 128], strides = [1, 1]} : vector<1024x8192xf32> to vector<1024x128xf32>
    %mul3A_490 = arith.constant 2.000000e+00 : f32
    %mul3A_491 = vector.broadcast %mul3A_490 : f32 to vector<1024x128xf32>
    %mul3A_492 = arith.mulf %mul3A_491, %slice3A_489 : vector<1024x128xf32>
    %sub3A_493 = arith.subf %add3A_488, %mul3A_492 : vector<1024x128xf32>
    %lt3A_494 = arith.cmpf olt, %sub3A_493, %broadcast_in_dim3A_482 : vector<1024x128xf32>
    %select_n3A_495 = arith.select %lt3A_494, %sub3A_493, %broadcast_in_dim3A_482 : vector<1024x128xi1>, vector<1024x128xf32>
    %jit3A_496 = arith.constant 0.000000e+00 : f32
    %broadcast_in_dim3A_497 = vector.broadcast %jit3A_496 : f32 to vector<1024x128xf32>
    %select_n3A_498 = arith.select %lt3A_494, %broadcast_in_dim3A_497, %broadcast_in_dim3A_484 : vector<1024x128xi1>, vector<1024x128xf32>
    %slice3A_499 = vector.extract_strided_slice %get3A_11 {offsets = [0, 4224], sizes = [1, 128], strides = [1, 1]} : vector<1x8192xf32> to vector<1x128xf32>
    %add3A_500 = vector.broadcast %get3A_8 : vector<1024x1xf32> to vector<1024x128xf32>
    %add3A_501 = vector.broadcast %slice3A_499 : vector<1x128xf32> to vector<1024x128xf32>
    %add3A_502 = arith.addf %add3A_500, %add3A_501 : vector<1024x128xf32>
    %slice3A_503 = vector.extract_strided_slice %dot_general3A_5 {offsets = [0, 4224], sizes = [1024, 128], strides = [1, 1]} : vector<1024x8192xf32> to vector<1024x128xf32>
    %mul3A_504 = arith.constant 2.000000e+00 : f32
    %mul3A_505 = vector.broadcast %mul3A_504 : f32 to vector<1024x128xf32>
    %mul3A_506 = arith.mulf %mul3A_505, %slice3A_503 : vector<1024x128xf32>
    %sub3A_507 = arith.subf %add3A_502, %mul3A_506 : vector<1024x128xf32>
    %lt3A_508 = arith.cmpf olt, %sub3A_507, %select_n3A_495 : vector<1024x128xf32>
    %select_n3A_509 = arith.select %lt3A_508, %sub3A_507, %select_n3A_495 : vector<1024x128xi1>, vector<1024x128xf32>
    %jit3A_510 = arith.constant 1.000000e+00 : f32
    %broadcast_in_dim3A_511 = vector.broadcast %jit3A_510 : f32 to vector<1024x128xf32>
    %select_n3A_512 = arith.select %lt3A_508, %broadcast_in_dim3A_511, %select_n3A_498 : vector<1024x128xi1>, vector<1024x128xf32>
    %slice3A_513 = vector.extract_strided_slice %get3A_11 {offsets = [0, 4352], sizes = [1, 128], strides = [1, 1]} : vector<1x8192xf32> to vector<1x128xf32>
    %add3A_514 = vector.broadcast %get3A_8 : vector<1024x1xf32> to vector<1024x128xf32>
    %add3A_515 = vector.broadcast %slice3A_513 : vector<1x128xf32> to vector<1024x128xf32>
    %add3A_516 = arith.addf %add3A_514, %add3A_515 : vector<1024x128xf32>
    %slice3A_517 = vector.extract_strided_slice %dot_general3A_5 {offsets = [0, 4352], sizes = [1024, 128], strides = [1, 1]} : vector<1024x8192xf32> to vector<1024x128xf32>
    %mul3A_518 = arith.constant 2.000000e+00 : f32
    %mul3A_519 = vector.broadcast %mul3A_518 : f32 to vector<1024x128xf32>
    %mul3A_520 = arith.mulf %mul3A_519, %slice3A_517 : vector<1024x128xf32>
    %sub3A_521 = arith.subf %add3A_516, %mul3A_520 : vector<1024x128xf32>
    %lt3A_522 = arith.cmpf olt, %sub3A_521, %select_n3A_509 : vector<1024x128xf32>
    %select_n3A_523 = arith.select %lt3A_522, %sub3A_521, %select_n3A_509 : vector<1024x128xi1>, vector<1024x128xf32>
    %jit3A_524 = arith.constant 2.000000e+00 : f32
    %broadcast_in_dim3A_525 = vector.broadcast %jit3A_524 : f32 to vector<1024x128xf32>
    %select_n3A_526 = arith.select %lt3A_522, %broadcast_in_dim3A_525, %select_n3A_512 : vector<1024x128xi1>, vector<1024x128xf32>
    %slice3A_527 = vector.extract_strided_slice %get3A_11 {offsets = [0, 4480], sizes = [1, 128], strides = [1, 1]} : vector<1x8192xf32> to vector<1x128xf32>
    %add3A_528 = vector.broadcast %get3A_8 : vector<1024x1xf32> to vector<1024x128xf32>
    %add3A_529 = vector.broadcast %slice3A_527 : vector<1x128xf32> to vector<1024x128xf32>
    %add3A_530 = arith.addf %add3A_528, %add3A_529 : vector<1024x128xf32>
    %slice3A_531 = vector.extract_strided_slice %dot_general3A_5 {offsets = [0, 4480], sizes = [1024, 128], strides = [1, 1]} : vector<1024x8192xf32> to vector<1024x128xf32>
    %mul3A_532 = arith.constant 2.000000e+00 : f32
    %mul3A_533 = vector.broadcast %mul3A_532 : f32 to vector<1024x128xf32>
    %mul3A_534 = arith.mulf %mul3A_533, %slice3A_531 : vector<1024x128xf32>
    %sub3A_535 = arith.subf %add3A_530, %mul3A_534 : vector<1024x128xf32>
    %lt3A_536 = arith.cmpf olt, %sub3A_535, %select_n3A_523 : vector<1024x128xf32>
    %select_n3A_537 = arith.select %lt3A_536, %sub3A_535, %select_n3A_523 : vector<1024x128xi1>, vector<1024x128xf32>
    %jit3A_538 = arith.constant 3.000000e+00 : f32
    %broadcast_in_dim3A_539 = vector.broadcast %jit3A_538 : f32 to vector<1024x128xf32>
    %select_n3A_540 = arith.select %lt3A_536, %broadcast_in_dim3A_539, %select_n3A_526 : vector<1024x128xi1>, vector<1024x128xf32>
    %slice3A_541 = vector.extract_strided_slice %get3A_11 {offsets = [0, 4608], sizes = [1, 128], strides = [1, 1]} : vector<1x8192xf32> to vector<1x128xf32>
    %add3A_542 = vector.broadcast %get3A_8 : vector<1024x1xf32> to vector<1024x128xf32>
    %add3A_543 = vector.broadcast %slice3A_541 : vector<1x128xf32> to vector<1024x128xf32>
    %add3A_544 = arith.addf %add3A_542, %add3A_543 : vector<1024x128xf32>
    %slice3A_545 = vector.extract_strided_slice %dot_general3A_5 {offsets = [0, 4608], sizes = [1024, 128], strides = [1, 1]} : vector<1024x8192xf32> to vector<1024x128xf32>
    %mul3A_546 = arith.constant 2.000000e+00 : f32
    %mul3A_547 = vector.broadcast %mul3A_546 : f32 to vector<1024x128xf32>
    %mul3A_548 = arith.mulf %mul3A_547, %slice3A_545 : vector<1024x128xf32>
    %sub3A_549 = arith.subf %add3A_544, %mul3A_548 : vector<1024x128xf32>
    %lt3A_550 = arith.cmpf olt, %sub3A_549, %select_n3A_537 : vector<1024x128xf32>
    %select_n3A_551 = arith.select %lt3A_550, %sub3A_549, %select_n3A_537 : vector<1024x128xi1>, vector<1024x128xf32>
    %jit3A_552 = arith.constant 4.000000e+00 : f32
    %broadcast_in_dim3A_553 = vector.broadcast %jit3A_552 : f32 to vector<1024x128xf32>
    %select_n3A_554 = arith.select %lt3A_550, %broadcast_in_dim3A_553, %select_n3A_540 : vector<1024x128xi1>, vector<1024x128xf32>
    %slice3A_555 = vector.extract_strided_slice %get3A_11 {offsets = [0, 4736], sizes = [1, 128], strides = [1, 1]} : vector<1x8192xf32> to vector<1x128xf32>
    %add3A_556 = vector.broadcast %get3A_8 : vector<1024x1xf32> to vector<1024x128xf32>
    %add3A_557 = vector.broadcast %slice3A_555 : vector<1x128xf32> to vector<1024x128xf32>
    %add3A_558 = arith.addf %add3A_556, %add3A_557 : vector<1024x128xf32>
    %slice3A_559 = vector.extract_strided_slice %dot_general3A_5 {offsets = [0, 4736], sizes = [1024, 128], strides = [1, 1]} : vector<1024x8192xf32> to vector<1024x128xf32>
    %mul3A_560 = arith.constant 2.000000e+00 : f32
    %mul3A_561 = vector.broadcast %mul3A_560 : f32 to vector<1024x128xf32>
    %mul3A_562 = arith.mulf %mul3A_561, %slice3A_559 : vector<1024x128xf32>
    %sub3A_563 = arith.subf %add3A_558, %mul3A_562 : vector<1024x128xf32>
    %lt3A_564 = arith.cmpf olt, %sub3A_563, %select_n3A_551 : vector<1024x128xf32>
    %select_n3A_565 = arith.select %lt3A_564, %sub3A_563, %select_n3A_551 : vector<1024x128xi1>, vector<1024x128xf32>
    %jit3A_566 = arith.constant 5.000000e+00 : f32
    %broadcast_in_dim3A_567 = vector.broadcast %jit3A_566 : f32 to vector<1024x128xf32>
    %select_n3A_568 = arith.select %lt3A_564, %broadcast_in_dim3A_567, %select_n3A_554 : vector<1024x128xi1>, vector<1024x128xf32>
    %slice3A_569 = vector.extract_strided_slice %get3A_11 {offsets = [0, 4864], sizes = [1, 128], strides = [1, 1]} : vector<1x8192xf32> to vector<1x128xf32>
    %add3A_570 = vector.broadcast %get3A_8 : vector<1024x1xf32> to vector<1024x128xf32>
    %add3A_571 = vector.broadcast %slice3A_569 : vector<1x128xf32> to vector<1024x128xf32>
    %add3A_572 = arith.addf %add3A_570, %add3A_571 : vector<1024x128xf32>
    %slice3A_573 = vector.extract_strided_slice %dot_general3A_5 {offsets = [0, 4864], sizes = [1024, 128], strides = [1, 1]} : vector<1024x8192xf32> to vector<1024x128xf32>
    %mul3A_574 = arith.constant 2.000000e+00 : f32
    %mul3A_575 = vector.broadcast %mul3A_574 : f32 to vector<1024x128xf32>
    %mul3A_576 = arith.mulf %mul3A_575, %slice3A_573 : vector<1024x128xf32>
    %sub3A_577 = arith.subf %add3A_572, %mul3A_576 : vector<1024x128xf32>
    %lt3A_578 = arith.cmpf olt, %sub3A_577, %select_n3A_565 : vector<1024x128xf32>
    %select_n3A_579 = arith.select %lt3A_578, %sub3A_577, %select_n3A_565 : vector<1024x128xi1>, vector<1024x128xf32>
    %jit3A_580 = arith.constant 6.000000e+00 : f32
    %broadcast_in_dim3A_581 = vector.broadcast %jit3A_580 : f32 to vector<1024x128xf32>
    %select_n3A_582 = arith.select %lt3A_578, %broadcast_in_dim3A_581, %select_n3A_568 : vector<1024x128xi1>, vector<1024x128xf32>
    %slice3A_583 = vector.extract_strided_slice %get3A_11 {offsets = [0, 4992], sizes = [1, 128], strides = [1, 1]} : vector<1x8192xf32> to vector<1x128xf32>
    %add3A_584 = vector.broadcast %get3A_8 : vector<1024x1xf32> to vector<1024x128xf32>
    %add3A_585 = vector.broadcast %slice3A_583 : vector<1x128xf32> to vector<1024x128xf32>
    %add3A_586 = arith.addf %add3A_584, %add3A_585 : vector<1024x128xf32>
    %slice3A_587 = vector.extract_strided_slice %dot_general3A_5 {offsets = [0, 4992], sizes = [1024, 128], strides = [1, 1]} : vector<1024x8192xf32> to vector<1024x128xf32>
    %mul3A_588 = arith.constant 2.000000e+00 : f32
    %mul3A_589 = vector.broadcast %mul3A_588 : f32 to vector<1024x128xf32>
    %mul3A_590 = arith.mulf %mul3A_589, %slice3A_587 : vector<1024x128xf32>
    %sub3A_591 = arith.subf %add3A_586, %mul3A_590 : vector<1024x128xf32>
    %lt3A_592 = arith.cmpf olt, %sub3A_591, %select_n3A_579 : vector<1024x128xf32>
    %select_n3A_593 = arith.select %lt3A_592, %sub3A_591, %select_n3A_579 : vector<1024x128xi1>, vector<1024x128xf32>
    %jit3A_594 = arith.constant 7.000000e+00 : f32
    %broadcast_in_dim3A_595 = vector.broadcast %jit3A_594 : f32 to vector<1024x128xf32>
    %select_n3A_596 = arith.select %lt3A_592, %broadcast_in_dim3A_595, %select_n3A_582 : vector<1024x128xi1>, vector<1024x128xf32>
    %slice3A_597 = vector.extract_strided_slice %get3A_11 {offsets = [0, 5120], sizes = [1, 128], strides = [1, 1]} : vector<1x8192xf32> to vector<1x128xf32>
    %add3A_598 = vector.broadcast %get3A_8 : vector<1024x1xf32> to vector<1024x128xf32>
    %add3A_599 = vector.broadcast %slice3A_597 : vector<1x128xf32> to vector<1024x128xf32>
    %add3A_600 = arith.addf %add3A_598, %add3A_599 : vector<1024x128xf32>
    %slice3A_601 = vector.extract_strided_slice %dot_general3A_5 {offsets = [0, 5120], sizes = [1024, 128], strides = [1, 1]} : vector<1024x8192xf32> to vector<1024x128xf32>
    %mul3A_602 = arith.constant 2.000000e+00 : f32
    %mul3A_603 = vector.broadcast %mul3A_602 : f32 to vector<1024x128xf32>
    %mul3A_604 = arith.mulf %mul3A_603, %slice3A_601 : vector<1024x128xf32>
    %sub3A_605 = arith.subf %add3A_600, %mul3A_604 : vector<1024x128xf32>
    %lt3A_606 = arith.cmpf olt, %sub3A_605, %select_n3A_593 : vector<1024x128xf32>
    %select_n3A_607 = arith.select %lt3A_606, %sub3A_605, %select_n3A_593 : vector<1024x128xi1>, vector<1024x128xf32>
    %jit3A_608 = arith.constant 8.000000e+00 : f32
    %broadcast_in_dim3A_609 = vector.broadcast %jit3A_608 : f32 to vector<1024x128xf32>
    %select_n3A_610 = arith.select %lt3A_606, %broadcast_in_dim3A_609, %select_n3A_596 : vector<1024x128xi1>, vector<1024x128xf32>
    %slice3A_611 = vector.extract_strided_slice %get3A_11 {offsets = [0, 5248], sizes = [1, 128], strides = [1, 1]} : vector<1x8192xf32> to vector<1x128xf32>
    %add3A_612 = vector.broadcast %get3A_8 : vector<1024x1xf32> to vector<1024x128xf32>
    %add3A_613 = vector.broadcast %slice3A_611 : vector<1x128xf32> to vector<1024x128xf32>
    %add3A_614 = arith.addf %add3A_612, %add3A_613 : vector<1024x128xf32>
    %slice3A_615 = vector.extract_strided_slice %dot_general3A_5 {offsets = [0, 5248], sizes = [1024, 128], strides = [1, 1]} : vector<1024x8192xf32> to vector<1024x128xf32>
    %mul3A_616 = arith.constant 2.000000e+00 : f32
    %mul3A_617 = vector.broadcast %mul3A_616 : f32 to vector<1024x128xf32>
    %mul3A_618 = arith.mulf %mul3A_617, %slice3A_615 : vector<1024x128xf32>
    %sub3A_619 = arith.subf %add3A_614, %mul3A_618 : vector<1024x128xf32>
    %lt3A_620 = arith.cmpf olt, %sub3A_619, %select_n3A_607 : vector<1024x128xf32>
    %select_n3A_621 = arith.select %lt3A_620, %sub3A_619, %select_n3A_607 : vector<1024x128xi1>, vector<1024x128xf32>
    %jit3A_622 = arith.constant 9.000000e+00 : f32
    %broadcast_in_dim3A_623 = vector.broadcast %jit3A_622 : f32 to vector<1024x128xf32>
    %select_n3A_624 = arith.select %lt3A_620, %broadcast_in_dim3A_623, %select_n3A_610 : vector<1024x128xi1>, vector<1024x128xf32>
    %slice3A_625 = vector.extract_strided_slice %get3A_11 {offsets = [0, 5376], sizes = [1, 128], strides = [1, 1]} : vector<1x8192xf32> to vector<1x128xf32>
    %add3A_626 = vector.broadcast %get3A_8 : vector<1024x1xf32> to vector<1024x128xf32>
    %add3A_627 = vector.broadcast %slice3A_625 : vector<1x128xf32> to vector<1024x128xf32>
    %add3A_628 = arith.addf %add3A_626, %add3A_627 : vector<1024x128xf32>
    %slice3A_629 = vector.extract_strided_slice %dot_general3A_5 {offsets = [0, 5376], sizes = [1024, 128], strides = [1, 1]} : vector<1024x8192xf32> to vector<1024x128xf32>
    %mul3A_630 = arith.constant 2.000000e+00 : f32
    %mul3A_631 = vector.broadcast %mul3A_630 : f32 to vector<1024x128xf32>
    %mul3A_632 = arith.mulf %mul3A_631, %slice3A_629 : vector<1024x128xf32>
    %sub3A_633 = arith.subf %add3A_628, %mul3A_632 : vector<1024x128xf32>
    %lt3A_634 = arith.cmpf olt, %sub3A_633, %select_n3A_621 : vector<1024x128xf32>
    %select_n3A_635 = arith.select %lt3A_634, %sub3A_633, %select_n3A_621 : vector<1024x128xi1>, vector<1024x128xf32>
    %jit3A_636 = arith.constant 1.000000e+01 : f32
    %broadcast_in_dim3A_637 = vector.broadcast %jit3A_636 : f32 to vector<1024x128xf32>
    %select_n3A_638 = arith.select %lt3A_634, %broadcast_in_dim3A_637, %select_n3A_624 : vector<1024x128xi1>, vector<1024x128xf32>
    %slice3A_639 = vector.extract_strided_slice %get3A_11 {offsets = [0, 5504], sizes = [1, 128], strides = [1, 1]} : vector<1x8192xf32> to vector<1x128xf32>
    %add3A_640 = vector.broadcast %get3A_8 : vector<1024x1xf32> to vector<1024x128xf32>
    %add3A_641 = vector.broadcast %slice3A_639 : vector<1x128xf32> to vector<1024x128xf32>
    %add3A_642 = arith.addf %add3A_640, %add3A_641 : vector<1024x128xf32>
    %slice3A_643 = vector.extract_strided_slice %dot_general3A_5 {offsets = [0, 5504], sizes = [1024, 128], strides = [1, 1]} : vector<1024x8192xf32> to vector<1024x128xf32>
    %mul3A_644 = arith.constant 2.000000e+00 : f32
    %mul3A_645 = vector.broadcast %mul3A_644 : f32 to vector<1024x128xf32>
    %mul3A_646 = arith.mulf %mul3A_645, %slice3A_643 : vector<1024x128xf32>
    %sub3A_647 = arith.subf %add3A_642, %mul3A_646 : vector<1024x128xf32>
    %lt3A_648 = arith.cmpf olt, %sub3A_647, %select_n3A_635 : vector<1024x128xf32>
    %select_n3A_649 = arith.select %lt3A_648, %sub3A_647, %select_n3A_635 : vector<1024x128xi1>, vector<1024x128xf32>
    %jit3A_650 = arith.constant 1.100000e+01 : f32
    %broadcast_in_dim3A_651 = vector.broadcast %jit3A_650 : f32 to vector<1024x128xf32>
    %select_n3A_652 = arith.select %lt3A_648, %broadcast_in_dim3A_651, %select_n3A_638 : vector<1024x128xi1>, vector<1024x128xf32>
    %slice3A_653 = vector.extract_strided_slice %get3A_11 {offsets = [0, 5632], sizes = [1, 128], strides = [1, 1]} : vector<1x8192xf32> to vector<1x128xf32>
    %add3A_654 = vector.broadcast %get3A_8 : vector<1024x1xf32> to vector<1024x128xf32>
    %add3A_655 = vector.broadcast %slice3A_653 : vector<1x128xf32> to vector<1024x128xf32>
    %add3A_656 = arith.addf %add3A_654, %add3A_655 : vector<1024x128xf32>
    %slice3A_657 = vector.extract_strided_slice %dot_general3A_5 {offsets = [0, 5632], sizes = [1024, 128], strides = [1, 1]} : vector<1024x8192xf32> to vector<1024x128xf32>
    %mul3A_658 = arith.constant 2.000000e+00 : f32
    %mul3A_659 = vector.broadcast %mul3A_658 : f32 to vector<1024x128xf32>
    %mul3A_660 = arith.mulf %mul3A_659, %slice3A_657 : vector<1024x128xf32>
    %sub3A_661 = arith.subf %add3A_656, %mul3A_660 : vector<1024x128xf32>
    %lt3A_662 = arith.cmpf olt, %sub3A_661, %select_n3A_649 : vector<1024x128xf32>
    %select_n3A_663 = arith.select %lt3A_662, %sub3A_661, %select_n3A_649 : vector<1024x128xi1>, vector<1024x128xf32>
    %jit3A_664 = arith.constant 1.200000e+01 : f32
    %broadcast_in_dim3A_665 = vector.broadcast %jit3A_664 : f32 to vector<1024x128xf32>
    %select_n3A_666 = arith.select %lt3A_662, %broadcast_in_dim3A_665, %select_n3A_652 : vector<1024x128xi1>, vector<1024x128xf32>
    %slice3A_667 = vector.extract_strided_slice %get3A_11 {offsets = [0, 5760], sizes = [1, 128], strides = [1, 1]} : vector<1x8192xf32> to vector<1x128xf32>
    %add3A_668 = vector.broadcast %get3A_8 : vector<1024x1xf32> to vector<1024x128xf32>
    %add3A_669 = vector.broadcast %slice3A_667 : vector<1x128xf32> to vector<1024x128xf32>
    %add3A_670 = arith.addf %add3A_668, %add3A_669 : vector<1024x128xf32>
    %slice3A_671 = vector.extract_strided_slice %dot_general3A_5 {offsets = [0, 5760], sizes = [1024, 128], strides = [1, 1]} : vector<1024x8192xf32> to vector<1024x128xf32>
    %mul3A_672 = arith.constant 2.000000e+00 : f32
    %mul3A_673 = vector.broadcast %mul3A_672 : f32 to vector<1024x128xf32>
    %mul3A_674 = arith.mulf %mul3A_673, %slice3A_671 : vector<1024x128xf32>
    %sub3A_675 = arith.subf %add3A_670, %mul3A_674 : vector<1024x128xf32>
    %lt3A_676 = arith.cmpf olt, %sub3A_675, %select_n3A_663 : vector<1024x128xf32>
    %select_n3A_677 = arith.select %lt3A_676, %sub3A_675, %select_n3A_663 : vector<1024x128xi1>, vector<1024x128xf32>
    %jit3A_678 = arith.constant 1.300000e+01 : f32
    %broadcast_in_dim3A_679 = vector.broadcast %jit3A_678 : f32 to vector<1024x128xf32>
    %select_n3A_680 = arith.select %lt3A_676, %broadcast_in_dim3A_679, %select_n3A_666 : vector<1024x128xi1>, vector<1024x128xf32>
    %slice3A_681 = vector.extract_strided_slice %get3A_11 {offsets = [0, 5888], sizes = [1, 128], strides = [1, 1]} : vector<1x8192xf32> to vector<1x128xf32>
    %add3A_682 = vector.broadcast %get3A_8 : vector<1024x1xf32> to vector<1024x128xf32>
    %add3A_683 = vector.broadcast %slice3A_681 : vector<1x128xf32> to vector<1024x128xf32>
    %add3A_684 = arith.addf %add3A_682, %add3A_683 : vector<1024x128xf32>
    %slice3A_685 = vector.extract_strided_slice %dot_general3A_5 {offsets = [0, 5888], sizes = [1024, 128], strides = [1, 1]} : vector<1024x8192xf32> to vector<1024x128xf32>
    %mul3A_686 = arith.constant 2.000000e+00 : f32
    %mul3A_687 = vector.broadcast %mul3A_686 : f32 to vector<1024x128xf32>
    %mul3A_688 = arith.mulf %mul3A_687, %slice3A_685 : vector<1024x128xf32>
    %sub3A_689 = arith.subf %add3A_684, %mul3A_688 : vector<1024x128xf32>
    %lt3A_690 = arith.cmpf olt, %sub3A_689, %select_n3A_677 : vector<1024x128xf32>
    %select_n3A_691 = arith.select %lt3A_690, %sub3A_689, %select_n3A_677 : vector<1024x128xi1>, vector<1024x128xf32>
    %jit3A_692 = arith.constant 1.400000e+01 : f32
    %broadcast_in_dim3A_693 = vector.broadcast %jit3A_692 : f32 to vector<1024x128xf32>
    %select_n3A_694 = arith.select %lt3A_690, %broadcast_in_dim3A_693, %select_n3A_680 : vector<1024x128xi1>, vector<1024x128xf32>
    %slice3A_695 = vector.extract_strided_slice %get3A_11 {offsets = [0, 6016], sizes = [1, 128], strides = [1, 1]} : vector<1x8192xf32> to vector<1x128xf32>
    %add3A_696 = vector.broadcast %get3A_8 : vector<1024x1xf32> to vector<1024x128xf32>
    %add3A_697 = vector.broadcast %slice3A_695 : vector<1x128xf32> to vector<1024x128xf32>
    %add3A_698 = arith.addf %add3A_696, %add3A_697 : vector<1024x128xf32>
    %slice3A_699 = vector.extract_strided_slice %dot_general3A_5 {offsets = [0, 6016], sizes = [1024, 128], strides = [1, 1]} : vector<1024x8192xf32> to vector<1024x128xf32>
    %mul3A_700 = arith.constant 2.000000e+00 : f32
    %mul3A_701 = vector.broadcast %mul3A_700 : f32 to vector<1024x128xf32>
    %mul3A_702 = arith.mulf %mul3A_701, %slice3A_699 : vector<1024x128xf32>
    %sub3A_703 = arith.subf %add3A_698, %mul3A_702 : vector<1024x128xf32>
    %lt3A_704 = arith.cmpf olt, %sub3A_703, %select_n3A_691 : vector<1024x128xf32>
    %select_n3A_705 = arith.select %lt3A_704, %sub3A_703, %select_n3A_691 : vector<1024x128xi1>, vector<1024x128xf32>
    %jit3A_706 = arith.constant 1.500000e+01 : f32
    %broadcast_in_dim3A_707 = vector.broadcast %jit3A_706 : f32 to vector<1024x128xf32>
    %select_n3A_708 = arith.select %lt3A_704, %broadcast_in_dim3A_707, %select_n3A_694 : vector<1024x128xi1>, vector<1024x128xf32>
    %slice3A_709 = vector.extract_strided_slice %get3A_11 {offsets = [0, 6144], sizes = [1, 128], strides = [1, 1]} : vector<1x8192xf32> to vector<1x128xf32>
    %add3A_710 = vector.broadcast %get3A_8 : vector<1024x1xf32> to vector<1024x128xf32>
    %add3A_711 = vector.broadcast %slice3A_709 : vector<1x128xf32> to vector<1024x128xf32>
    %add3A_712 = arith.addf %add3A_710, %add3A_711 : vector<1024x128xf32>
    %slice3A_713 = vector.extract_strided_slice %dot_general3A_5 {offsets = [0, 6144], sizes = [1024, 128], strides = [1, 1]} : vector<1024x8192xf32> to vector<1024x128xf32>
    %mul3A_714 = arith.constant 2.000000e+00 : f32
    %mul3A_715 = vector.broadcast %mul3A_714 : f32 to vector<1024x128xf32>
    %mul3A_716 = arith.mulf %mul3A_715, %slice3A_713 : vector<1024x128xf32>
    %sub3A_717 = arith.subf %add3A_712, %mul3A_716 : vector<1024x128xf32>
    %lt3A_718 = arith.cmpf olt, %sub3A_717, %select_n3A_705 : vector<1024x128xf32>
    %select_n3A_719 = arith.select %lt3A_718, %sub3A_717, %select_n3A_705 : vector<1024x128xi1>, vector<1024x128xf32>
    %jit3A_720 = arith.constant 1.600000e+01 : f32
    %broadcast_in_dim3A_721 = vector.broadcast %jit3A_720 : f32 to vector<1024x128xf32>
    %select_n3A_722 = arith.select %lt3A_718, %broadcast_in_dim3A_721, %select_n3A_708 : vector<1024x128xi1>, vector<1024x128xf32>
    %slice3A_723 = vector.extract_strided_slice %get3A_11 {offsets = [0, 6272], sizes = [1, 128], strides = [1, 1]} : vector<1x8192xf32> to vector<1x128xf32>
    %add3A_724 = vector.broadcast %get3A_8 : vector<1024x1xf32> to vector<1024x128xf32>
    %add3A_725 = vector.broadcast %slice3A_723 : vector<1x128xf32> to vector<1024x128xf32>
    %add3A_726 = arith.addf %add3A_724, %add3A_725 : vector<1024x128xf32>
    %slice3A_727 = vector.extract_strided_slice %dot_general3A_5 {offsets = [0, 6272], sizes = [1024, 128], strides = [1, 1]} : vector<1024x8192xf32> to vector<1024x128xf32>
    %mul3A_728 = arith.constant 2.000000e+00 : f32
    %mul3A_729 = vector.broadcast %mul3A_728 : f32 to vector<1024x128xf32>
    %mul3A_730 = arith.mulf %mul3A_729, %slice3A_727 : vector<1024x128xf32>
    %sub3A_731 = arith.subf %add3A_726, %mul3A_730 : vector<1024x128xf32>
    %lt3A_732 = arith.cmpf olt, %sub3A_731, %select_n3A_719 : vector<1024x128xf32>
    %select_n3A_733 = arith.select %lt3A_732, %sub3A_731, %select_n3A_719 : vector<1024x128xi1>, vector<1024x128xf32>
    %jit3A_734 = arith.constant 1.700000e+01 : f32
    %broadcast_in_dim3A_735 = vector.broadcast %jit3A_734 : f32 to vector<1024x128xf32>
    %select_n3A_736 = arith.select %lt3A_732, %broadcast_in_dim3A_735, %select_n3A_722 : vector<1024x128xi1>, vector<1024x128xf32>
    %slice3A_737 = vector.extract_strided_slice %get3A_11 {offsets = [0, 6400], sizes = [1, 128], strides = [1, 1]} : vector<1x8192xf32> to vector<1x128xf32>
    %add3A_738 = vector.broadcast %get3A_8 : vector<1024x1xf32> to vector<1024x128xf32>
    %add3A_739 = vector.broadcast %slice3A_737 : vector<1x128xf32> to vector<1024x128xf32>
    %add3A_740 = arith.addf %add3A_738, %add3A_739 : vector<1024x128xf32>
    %slice3A_741 = vector.extract_strided_slice %dot_general3A_5 {offsets = [0, 6400], sizes = [1024, 128], strides = [1, 1]} : vector<1024x8192xf32> to vector<1024x128xf32>
    %mul3A_742 = arith.constant 2.000000e+00 : f32
    %mul3A_743 = vector.broadcast %mul3A_742 : f32 to vector<1024x128xf32>
    %mul3A_744 = arith.mulf %mul3A_743, %slice3A_741 : vector<1024x128xf32>
    %sub3A_745 = arith.subf %add3A_740, %mul3A_744 : vector<1024x128xf32>
    %lt3A_746 = arith.cmpf olt, %sub3A_745, %select_n3A_733 : vector<1024x128xf32>
    %select_n3A_747 = arith.select %lt3A_746, %sub3A_745, %select_n3A_733 : vector<1024x128xi1>, vector<1024x128xf32>
    %jit3A_748 = arith.constant 1.800000e+01 : f32
    %broadcast_in_dim3A_749 = vector.broadcast %jit3A_748 : f32 to vector<1024x128xf32>
    %select_n3A_750 = arith.select %lt3A_746, %broadcast_in_dim3A_749, %select_n3A_736 : vector<1024x128xi1>, vector<1024x128xf32>
    %slice3A_751 = vector.extract_strided_slice %get3A_11 {offsets = [0, 6528], sizes = [1, 128], strides = [1, 1]} : vector<1x8192xf32> to vector<1x128xf32>
    %add3A_752 = vector.broadcast %get3A_8 : vector<1024x1xf32> to vector<1024x128xf32>
    %add3A_753 = vector.broadcast %slice3A_751 : vector<1x128xf32> to vector<1024x128xf32>
    %add3A_754 = arith.addf %add3A_752, %add3A_753 : vector<1024x128xf32>
    %slice3A_755 = vector.extract_strided_slice %dot_general3A_5 {offsets = [0, 6528], sizes = [1024, 128], strides = [1, 1]} : vector<1024x8192xf32> to vector<1024x128xf32>
    %mul3A_756 = arith.constant 2.000000e+00 : f32
    %mul3A_757 = vector.broadcast %mul3A_756 : f32 to vector<1024x128xf32>
    %mul3A_758 = arith.mulf %mul3A_757, %slice3A_755 : vector<1024x128xf32>
    %sub3A_759 = arith.subf %add3A_754, %mul3A_758 : vector<1024x128xf32>
    %lt3A_760 = arith.cmpf olt, %sub3A_759, %select_n3A_747 : vector<1024x128xf32>
    %select_n3A_761 = arith.select %lt3A_760, %sub3A_759, %select_n3A_747 : vector<1024x128xi1>, vector<1024x128xf32>
    %jit3A_762 = arith.constant 1.900000e+01 : f32
    %broadcast_in_dim3A_763 = vector.broadcast %jit3A_762 : f32 to vector<1024x128xf32>
    %select_n3A_764 = arith.select %lt3A_760, %broadcast_in_dim3A_763, %select_n3A_750 : vector<1024x128xi1>, vector<1024x128xf32>
    %slice3A_765 = vector.extract_strided_slice %get3A_11 {offsets = [0, 6656], sizes = [1, 128], strides = [1, 1]} : vector<1x8192xf32> to vector<1x128xf32>
    %add3A_766 = vector.broadcast %get3A_8 : vector<1024x1xf32> to vector<1024x128xf32>
    %add3A_767 = vector.broadcast %slice3A_765 : vector<1x128xf32> to vector<1024x128xf32>
    %add3A_768 = arith.addf %add3A_766, %add3A_767 : vector<1024x128xf32>
    %slice3A_769 = vector.extract_strided_slice %dot_general3A_5 {offsets = [0, 6656], sizes = [1024, 128], strides = [1, 1]} : vector<1024x8192xf32> to vector<1024x128xf32>
    %mul3A_770 = arith.constant 2.000000e+00 : f32
    %mul3A_771 = vector.broadcast %mul3A_770 : f32 to vector<1024x128xf32>
    %mul3A_772 = arith.mulf %mul3A_771, %slice3A_769 : vector<1024x128xf32>
    %sub3A_773 = arith.subf %add3A_768, %mul3A_772 : vector<1024x128xf32>
    %lt3A_774 = arith.cmpf olt, %sub3A_773, %select_n3A_761 : vector<1024x128xf32>
    %select_n3A_775 = arith.select %lt3A_774, %sub3A_773, %select_n3A_761 : vector<1024x128xi1>, vector<1024x128xf32>
    %jit3A_776 = arith.constant 2.000000e+01 : f32
    %broadcast_in_dim3A_777 = vector.broadcast %jit3A_776 : f32 to vector<1024x128xf32>
    %select_n3A_778 = arith.select %lt3A_774, %broadcast_in_dim3A_777, %select_n3A_764 : vector<1024x128xi1>, vector<1024x128xf32>
    %slice3A_779 = vector.extract_strided_slice %get3A_11 {offsets = [0, 6784], sizes = [1, 128], strides = [1, 1]} : vector<1x8192xf32> to vector<1x128xf32>
    %add3A_780 = vector.broadcast %get3A_8 : vector<1024x1xf32> to vector<1024x128xf32>
    %add3A_781 = vector.broadcast %slice3A_779 : vector<1x128xf32> to vector<1024x128xf32>
    %add3A_782 = arith.addf %add3A_780, %add3A_781 : vector<1024x128xf32>
    %slice3A_783 = vector.extract_strided_slice %dot_general3A_5 {offsets = [0, 6784], sizes = [1024, 128], strides = [1, 1]} : vector<1024x8192xf32> to vector<1024x128xf32>
    %mul3A_784 = arith.constant 2.000000e+00 : f32
    %mul3A_785 = vector.broadcast %mul3A_784 : f32 to vector<1024x128xf32>
    %mul3A_786 = arith.mulf %mul3A_785, %slice3A_783 : vector<1024x128xf32>
    %sub3A_787 = arith.subf %add3A_782, %mul3A_786 : vector<1024x128xf32>
    %lt3A_788 = arith.cmpf olt, %sub3A_787, %select_n3A_775 : vector<1024x128xf32>
    %select_n3A_789 = arith.select %lt3A_788, %sub3A_787, %select_n3A_775 : vector<1024x128xi1>, vector<1024x128xf32>
    %jit3A_790 = arith.constant 2.100000e+01 : f32
    %broadcast_in_dim3A_791 = vector.broadcast %jit3A_790 : f32 to vector<1024x128xf32>
    %select_n3A_792 = arith.select %lt3A_788, %broadcast_in_dim3A_791, %select_n3A_778 : vector<1024x128xi1>, vector<1024x128xf32>
    %slice3A_793 = vector.extract_strided_slice %get3A_11 {offsets = [0, 6912], sizes = [1, 128], strides = [1, 1]} : vector<1x8192xf32> to vector<1x128xf32>
    %add3A_794 = vector.broadcast %get3A_8 : vector<1024x1xf32> to vector<1024x128xf32>
    %add3A_795 = vector.broadcast %slice3A_793 : vector<1x128xf32> to vector<1024x128xf32>
    %add3A_796 = arith.addf %add3A_794, %add3A_795 : vector<1024x128xf32>
    %slice3A_797 = vector.extract_strided_slice %dot_general3A_5 {offsets = [0, 6912], sizes = [1024, 128], strides = [1, 1]} : vector<1024x8192xf32> to vector<1024x128xf32>
    %mul3A_798 = arith.constant 2.000000e+00 : f32
    %mul3A_799 = vector.broadcast %mul3A_798 : f32 to vector<1024x128xf32>
    %mul3A_800 = arith.mulf %mul3A_799, %slice3A_797 : vector<1024x128xf32>
    %sub3A_801 = arith.subf %add3A_796, %mul3A_800 : vector<1024x128xf32>
    %lt3A_802 = arith.cmpf olt, %sub3A_801, %select_n3A_789 : vector<1024x128xf32>
    %select_n3A_803 = arith.select %lt3A_802, %sub3A_801, %select_n3A_789 : vector<1024x128xi1>, vector<1024x128xf32>
    %jit3A_804 = arith.constant 2.200000e+01 : f32
    %broadcast_in_dim3A_805 = vector.broadcast %jit3A_804 : f32 to vector<1024x128xf32>
    %select_n3A_806 = arith.select %lt3A_802, %broadcast_in_dim3A_805, %select_n3A_792 : vector<1024x128xi1>, vector<1024x128xf32>
    %slice3A_807 = vector.extract_strided_slice %get3A_11 {offsets = [0, 7040], sizes = [1, 128], strides = [1, 1]} : vector<1x8192xf32> to vector<1x128xf32>
    %add3A_808 = vector.broadcast %get3A_8 : vector<1024x1xf32> to vector<1024x128xf32>
    %add3A_809 = vector.broadcast %slice3A_807 : vector<1x128xf32> to vector<1024x128xf32>
    %add3A_810 = arith.addf %add3A_808, %add3A_809 : vector<1024x128xf32>
    %slice3A_811 = vector.extract_strided_slice %dot_general3A_5 {offsets = [0, 7040], sizes = [1024, 128], strides = [1, 1]} : vector<1024x8192xf32> to vector<1024x128xf32>
    %mul3A_812 = arith.constant 2.000000e+00 : f32
    %mul3A_813 = vector.broadcast %mul3A_812 : f32 to vector<1024x128xf32>
    %mul3A_814 = arith.mulf %mul3A_813, %slice3A_811 : vector<1024x128xf32>
    %sub3A_815 = arith.subf %add3A_810, %mul3A_814 : vector<1024x128xf32>
    %lt3A_816 = arith.cmpf olt, %sub3A_815, %select_n3A_803 : vector<1024x128xf32>
    %select_n3A_817 = arith.select %lt3A_816, %sub3A_815, %select_n3A_803 : vector<1024x128xi1>, vector<1024x128xf32>
    %jit3A_818 = arith.constant 2.300000e+01 : f32
    %broadcast_in_dim3A_819 = vector.broadcast %jit3A_818 : f32 to vector<1024x128xf32>
    %select_n3A_820 = arith.select %lt3A_816, %broadcast_in_dim3A_819, %select_n3A_806 : vector<1024x128xi1>, vector<1024x128xf32>
    %slice3A_821 = vector.extract_strided_slice %get3A_11 {offsets = [0, 7168], sizes = [1, 128], strides = [1, 1]} : vector<1x8192xf32> to vector<1x128xf32>
    %add3A_822 = vector.broadcast %get3A_8 : vector<1024x1xf32> to vector<1024x128xf32>
    %add3A_823 = vector.broadcast %slice3A_821 : vector<1x128xf32> to vector<1024x128xf32>
    %add3A_824 = arith.addf %add3A_822, %add3A_823 : vector<1024x128xf32>
    %slice3A_825 = vector.extract_strided_slice %dot_general3A_5 {offsets = [0, 7168], sizes = [1024, 128], strides = [1, 1]} : vector<1024x8192xf32> to vector<1024x128xf32>
    %mul3A_826 = arith.constant 2.000000e+00 : f32
    %mul3A_827 = vector.broadcast %mul3A_826 : f32 to vector<1024x128xf32>
    %mul3A_828 = arith.mulf %mul3A_827, %slice3A_825 : vector<1024x128xf32>
    %sub3A_829 = arith.subf %add3A_824, %mul3A_828 : vector<1024x128xf32>
    %lt3A_830 = arith.cmpf olt, %sub3A_829, %select_n3A_817 : vector<1024x128xf32>
    %select_n3A_831 = arith.select %lt3A_830, %sub3A_829, %select_n3A_817 : vector<1024x128xi1>, vector<1024x128xf32>
    %jit3A_832 = arith.constant 2.400000e+01 : f32
    %broadcast_in_dim3A_833 = vector.broadcast %jit3A_832 : f32 to vector<1024x128xf32>
    %select_n3A_834 = arith.select %lt3A_830, %broadcast_in_dim3A_833, %select_n3A_820 : vector<1024x128xi1>, vector<1024x128xf32>
    %slice3A_835 = vector.extract_strided_slice %get3A_11 {offsets = [0, 7296], sizes = [1, 128], strides = [1, 1]} : vector<1x8192xf32> to vector<1x128xf32>
    %add3A_836 = vector.broadcast %get3A_8 : vector<1024x1xf32> to vector<1024x128xf32>
    %add3A_837 = vector.broadcast %slice3A_835 : vector<1x128xf32> to vector<1024x128xf32>
    %add3A_838 = arith.addf %add3A_836, %add3A_837 : vector<1024x128xf32>
    %slice3A_839 = vector.extract_strided_slice %dot_general3A_5 {offsets = [0, 7296], sizes = [1024, 128], strides = [1, 1]} : vector<1024x8192xf32> to vector<1024x128xf32>
    %mul3A_840 = arith.constant 2.000000e+00 : f32
    %mul3A_841 = vector.broadcast %mul3A_840 : f32 to vector<1024x128xf32>
    %mul3A_842 = arith.mulf %mul3A_841, %slice3A_839 : vector<1024x128xf32>
    %sub3A_843 = arith.subf %add3A_838, %mul3A_842 : vector<1024x128xf32>
    %lt3A_844 = arith.cmpf olt, %sub3A_843, %select_n3A_831 : vector<1024x128xf32>
    %select_n3A_845 = arith.select %lt3A_844, %sub3A_843, %select_n3A_831 : vector<1024x128xi1>, vector<1024x128xf32>
    %jit3A_846 = arith.constant 2.500000e+01 : f32
    %broadcast_in_dim3A_847 = vector.broadcast %jit3A_846 : f32 to vector<1024x128xf32>
    %select_n3A_848 = arith.select %lt3A_844, %broadcast_in_dim3A_847, %select_n3A_834 : vector<1024x128xi1>, vector<1024x128xf32>
    %slice3A_849 = vector.extract_strided_slice %get3A_11 {offsets = [0, 7424], sizes = [1, 128], strides = [1, 1]} : vector<1x8192xf32> to vector<1x128xf32>
    %add3A_850 = vector.broadcast %get3A_8 : vector<1024x1xf32> to vector<1024x128xf32>
    %add3A_851 = vector.broadcast %slice3A_849 : vector<1x128xf32> to vector<1024x128xf32>
    %add3A_852 = arith.addf %add3A_850, %add3A_851 : vector<1024x128xf32>
    %slice3A_853 = vector.extract_strided_slice %dot_general3A_5 {offsets = [0, 7424], sizes = [1024, 128], strides = [1, 1]} : vector<1024x8192xf32> to vector<1024x128xf32>
    %mul3A_854 = arith.constant 2.000000e+00 : f32
    %mul3A_855 = vector.broadcast %mul3A_854 : f32 to vector<1024x128xf32>
    %mul3A_856 = arith.mulf %mul3A_855, %slice3A_853 : vector<1024x128xf32>
    %sub3A_857 = arith.subf %add3A_852, %mul3A_856 : vector<1024x128xf32>
    %lt3A_858 = arith.cmpf olt, %sub3A_857, %select_n3A_845 : vector<1024x128xf32>
    %select_n3A_859 = arith.select %lt3A_858, %sub3A_857, %select_n3A_845 : vector<1024x128xi1>, vector<1024x128xf32>
    %jit3A_860 = arith.constant 2.600000e+01 : f32
    %broadcast_in_dim3A_861 = vector.broadcast %jit3A_860 : f32 to vector<1024x128xf32>
    %select_n3A_862 = arith.select %lt3A_858, %broadcast_in_dim3A_861, %select_n3A_848 : vector<1024x128xi1>, vector<1024x128xf32>
    %slice3A_863 = vector.extract_strided_slice %get3A_11 {offsets = [0, 7552], sizes = [1, 128], strides = [1, 1]} : vector<1x8192xf32> to vector<1x128xf32>
    %add3A_864 = vector.broadcast %get3A_8 : vector<1024x1xf32> to vector<1024x128xf32>
    %add3A_865 = vector.broadcast %slice3A_863 : vector<1x128xf32> to vector<1024x128xf32>
    %add3A_866 = arith.addf %add3A_864, %add3A_865 : vector<1024x128xf32>
    %slice3A_867 = vector.extract_strided_slice %dot_general3A_5 {offsets = [0, 7552], sizes = [1024, 128], strides = [1, 1]} : vector<1024x8192xf32> to vector<1024x128xf32>
    %mul3A_868 = arith.constant 2.000000e+00 : f32
    %mul3A_869 = vector.broadcast %mul3A_868 : f32 to vector<1024x128xf32>
    %mul3A_870 = arith.mulf %mul3A_869, %slice3A_867 : vector<1024x128xf32>
    %sub3A_871 = arith.subf %add3A_866, %mul3A_870 : vector<1024x128xf32>
    %lt3A_872 = arith.cmpf olt, %sub3A_871, %select_n3A_859 : vector<1024x128xf32>
    %select_n3A_873 = arith.select %lt3A_872, %sub3A_871, %select_n3A_859 : vector<1024x128xi1>, vector<1024x128xf32>
    %jit3A_874 = arith.constant 2.700000e+01 : f32
    %broadcast_in_dim3A_875 = vector.broadcast %jit3A_874 : f32 to vector<1024x128xf32>
    %select_n3A_876 = arith.select %lt3A_872, %broadcast_in_dim3A_875, %select_n3A_862 : vector<1024x128xi1>, vector<1024x128xf32>
    %slice3A_877 = vector.extract_strided_slice %get3A_11 {offsets = [0, 7680], sizes = [1, 128], strides = [1, 1]} : vector<1x8192xf32> to vector<1x128xf32>
    %add3A_878 = vector.broadcast %get3A_8 : vector<1024x1xf32> to vector<1024x128xf32>
    %add3A_879 = vector.broadcast %slice3A_877 : vector<1x128xf32> to vector<1024x128xf32>
    %add3A_880 = arith.addf %add3A_878, %add3A_879 : vector<1024x128xf32>
    %slice3A_881 = vector.extract_strided_slice %dot_general3A_5 {offsets = [0, 7680], sizes = [1024, 128], strides = [1, 1]} : vector<1024x8192xf32> to vector<1024x128xf32>
    %mul3A_882 = arith.constant 2.000000e+00 : f32
    %mul3A_883 = vector.broadcast %mul3A_882 : f32 to vector<1024x128xf32>
    %mul3A_884 = arith.mulf %mul3A_883, %slice3A_881 : vector<1024x128xf32>
    %sub3A_885 = arith.subf %add3A_880, %mul3A_884 : vector<1024x128xf32>
    %lt3A_886 = arith.cmpf olt, %sub3A_885, %select_n3A_873 : vector<1024x128xf32>
    %select_n3A_887 = arith.select %lt3A_886, %sub3A_885, %select_n3A_873 : vector<1024x128xi1>, vector<1024x128xf32>
    %jit3A_888 = arith.constant 2.800000e+01 : f32
    %broadcast_in_dim3A_889 = vector.broadcast %jit3A_888 : f32 to vector<1024x128xf32>
    %select_n3A_890 = arith.select %lt3A_886, %broadcast_in_dim3A_889, %select_n3A_876 : vector<1024x128xi1>, vector<1024x128xf32>
    %slice3A_891 = vector.extract_strided_slice %get3A_11 {offsets = [0, 7808], sizes = [1, 128], strides = [1, 1]} : vector<1x8192xf32> to vector<1x128xf32>
    %add3A_892 = vector.broadcast %get3A_8 : vector<1024x1xf32> to vector<1024x128xf32>
    %add3A_893 = vector.broadcast %slice3A_891 : vector<1x128xf32> to vector<1024x128xf32>
    %add3A_894 = arith.addf %add3A_892, %add3A_893 : vector<1024x128xf32>
    %slice3A_895 = vector.extract_strided_slice %dot_general3A_5 {offsets = [0, 7808], sizes = [1024, 128], strides = [1, 1]} : vector<1024x8192xf32> to vector<1024x128xf32>
    %mul3A_896 = arith.constant 2.000000e+00 : f32
    %mul3A_897 = vector.broadcast %mul3A_896 : f32 to vector<1024x128xf32>
    %mul3A_898 = arith.mulf %mul3A_897, %slice3A_895 : vector<1024x128xf32>
    %sub3A_899 = arith.subf %add3A_894, %mul3A_898 : vector<1024x128xf32>
    %lt3A_900 = arith.cmpf olt, %sub3A_899, %select_n3A_887 : vector<1024x128xf32>
    %select_n3A_901 = arith.select %lt3A_900, %sub3A_899, %select_n3A_887 : vector<1024x128xi1>, vector<1024x128xf32>
    %jit3A_902 = arith.constant 2.900000e+01 : f32
    %broadcast_in_dim3A_903 = vector.broadcast %jit3A_902 : f32 to vector<1024x128xf32>
    %select_n3A_904 = arith.select %lt3A_900, %broadcast_in_dim3A_903, %select_n3A_890 : vector<1024x128xi1>, vector<1024x128xf32>
    %slice3A_905 = vector.extract_strided_slice %get3A_11 {offsets = [0, 7936], sizes = [1, 128], strides = [1, 1]} : vector<1x8192xf32> to vector<1x128xf32>
    %add3A_906 = vector.broadcast %get3A_8 : vector<1024x1xf32> to vector<1024x128xf32>
    %add3A_907 = vector.broadcast %slice3A_905 : vector<1x128xf32> to vector<1024x128xf32>
    %add3A_908 = arith.addf %add3A_906, %add3A_907 : vector<1024x128xf32>
    %slice3A_909 = vector.extract_strided_slice %dot_general3A_5 {offsets = [0, 7936], sizes = [1024, 128], strides = [1, 1]} : vector<1024x8192xf32> to vector<1024x128xf32>
    %mul3A_910 = arith.constant 2.000000e+00 : f32
    %mul3A_911 = vector.broadcast %mul3A_910 : f32 to vector<1024x128xf32>
    %mul3A_912 = arith.mulf %mul3A_911, %slice3A_909 : vector<1024x128xf32>
    %sub3A_913 = arith.subf %add3A_908, %mul3A_912 : vector<1024x128xf32>
    %lt3A_914 = arith.cmpf olt, %sub3A_913, %select_n3A_901 : vector<1024x128xf32>
    %select_n3A_915 = arith.select %lt3A_914, %sub3A_913, %select_n3A_901 : vector<1024x128xi1>, vector<1024x128xf32>
    %jit3A_916 = arith.constant 3.000000e+01 : f32
    %broadcast_in_dim3A_917 = vector.broadcast %jit3A_916 : f32 to vector<1024x128xf32>
    %select_n3A_918 = arith.select %lt3A_914, %broadcast_in_dim3A_917, %select_n3A_904 : vector<1024x128xi1>, vector<1024x128xf32>
    %slice3A_919 = vector.extract_strided_slice %get3A_11 {offsets = [0, 8064], sizes = [1, 128], strides = [1, 1]} : vector<1x8192xf32> to vector<1x128xf32>
    %add3A_920 = vector.broadcast %get3A_8 : vector<1024x1xf32> to vector<1024x128xf32>
    %add3A_921 = vector.broadcast %slice3A_919 : vector<1x128xf32> to vector<1024x128xf32>
    %add3A_922 = arith.addf %add3A_920, %add3A_921 : vector<1024x128xf32>
    %slice3A_923 = vector.extract_strided_slice %dot_general3A_5 {offsets = [0, 8064], sizes = [1024, 128], strides = [1, 1]} : vector<1024x8192xf32> to vector<1024x128xf32>
    %mul3A_924 = arith.constant 2.000000e+00 : f32
    %mul3A_925 = vector.broadcast %mul3A_924 : f32 to vector<1024x128xf32>
    %mul3A_926 = arith.mulf %mul3A_925, %slice3A_923 : vector<1024x128xf32>
    %sub3A_927 = arith.subf %add3A_922, %mul3A_926 : vector<1024x128xf32>
    %lt3A_928 = arith.cmpf olt, %sub3A_927, %select_n3A_915 : vector<1024x128xf32>
    %select_n3A_929 = arith.select %lt3A_928, %sub3A_927, %select_n3A_915 : vector<1024x128xi1>, vector<1024x128xf32>
    %jit3A_930 = arith.constant 3.100000e+01 : f32
    %broadcast_in_dim3A_931 = vector.broadcast %jit3A_930 : f32 to vector<1024x128xf32>
    %select_n3A_932 = arith.select %lt3A_928, %broadcast_in_dim3A_931, %select_n3A_918 : vector<1024x128xi1>, vector<1024x128xf32>
    %reduce_min3A_933 = arith.constant dense<0x7F800000> : vector<1024xf32>
    %reduce_min3A_934 = vector.multi_reduction <minimumf>, %select_n3A_929, %reduce_min3A_933 [1] : vector<1024x128xf32> to vector<1024xf32>
    %broadcast_in_dim3A_935 = vector.shape_cast %reduce_min3A_934 : vector<1024xf32> to vector<1024x1xf32>
    %mul3A_936 = arith.constant 1.280000e+02 : f32
    %mul3A_937 = vector.broadcast %mul3A_936 : f32 to vector<1024x128xf32>
    %mul3A_938 = arith.mulf %select_n3A_932, %mul3A_937 : vector<1024x128xf32>
    %add3A_939 = arith.addf %mul3A_938, %convert_element_type3A : vector<1024x128xf32>
    %add3A_940 = arith.constant 4.096000e+03 : f32
    %add3A_941 = vector.broadcast %add3A_940 : f32 to vector<1024x128xf32>
    %add3A_942 = arith.addf %add3A_939, %add3A_941 : vector<1024x128xf32>
    %eq3A_943 = vector.broadcast %broadcast_in_dim3A_935 : vector<1024x1xf32> to vector<1024x128xf32>
    %eq3A_944 = arith.cmpf oeq, %select_n3A_929, %eq3A_943 : vector<1024x128xf32>
    %jit3A_945 = arith.constant 8.192000e+03 : f32
    %broadcast_in_dim3A_946 = vector.broadcast %jit3A_945 : f32 to vector<1024x128xf32>
    %select_n3A_947 = arith.select %eq3A_944, %add3A_942, %broadcast_in_dim3A_946 : vector<1024x128xi1>, vector<1024x128xf32>
    %reduce_min3A_948 = arith.constant dense<0x7F800000> : vector<1024xf32>
    %reduce_min3A_949 = vector.multi_reduction <minimumf>, %select_n3A_947, %reduce_min3A_948 [1] : vector<1024x128xf32> to vector<1024xf32>
    %broadcast_in_dim3A_950 = vector.shape_cast %reduce_min3A_949 : vector<1024xf32> to vector<1024x1xf32>
    %lt3A_951 = arith.cmpf olt, %broadcast_in_dim3A_935, %select_n3A_479 : vector<1024x1xf32>
    %select_n3A_952 = arith.select %lt3A_951, %broadcast_in_dim3A_950, %select_n3A_480 : vector<1024x1xi1>, vector<1024x1xf32>
    %squeeze3A = vector.shape_cast %select_n3A_952 : vector<1024x1xf32> to vector<1024xf32>
    %convert_element_type3A_953 = arith.fptosi %squeeze3A : vector<1024xf32> to vector<1024xi32>
    %swap3A = arith.constant 0 : index
    %swap3A_954 = arith.constant 0 : index
    %swap3A_955 = arith.constant 0 : index
    %swap3A_956 = vector.load %arg5[%swap3A, %swap3A_954, %swap3A_955] : memref<1x1x1024xi32, #tpu.memory_space<vmem>>, vector<1x1x1024xi32>
    %swap3A_957 = vector.shape_cast %swap3A_956 : vector<1x1x1024xi32> to vector<1024xi32>
    %swap3A_958 = vector.shape_cast %convert_element_type3A_953 : vector<1024xi32> to vector<1x1x1024xi32>
    tpu.vector_store %arg5[%swap3A, %swap3A_954, %swap3A_955], %swap3A_958 {strides = array<i32>} : memref<1x1x1024xi32, #tpu.memory_space<vmem>>, vector<1x1x1024xi32>,
    return
  }
  func.func @transform_0(%arg0: i32) -> (i32, i32) {
    %c0_i32 = arith.constant 0 : i32
    %c0_i32_0 = arith.constant 0 : i32
    return %arg0, %c0_i32 : i32, i32
  }
  func.func @transform_1(%arg0: i32) -> (i32, i32) {
    %c0_i32 = arith.constant 0 : i32
    %c0_i32_0 = arith.constant 0 : i32
    return %arg0, %c0_i32 : i32, i32
  }
  func.func @transform_2(%arg0: i32) -> (i32, i32) {
    %c0_i32 = arith.constant 0 : i32
    %c0_i32_0 = arith.constant 0 : i32
    %c0_i32_1 = arith.constant 0 : i32
    return %c0_i32, %c0_i32_0 : i32, i32
  }
  func.func @transform_3(%arg0: i32) -> (i32, i32) {
    %c0_i32 = arith.constant 0 : i32
    %c0_i32_0 = arith.constant 0 : i32
    %c0_i32_1 = arith.constant 0 : i32
    return %c0_i32, %c0_i32_0 : i32, i32
  }
  func.func @transform_4(%arg0: i32) -> (i32, i32, i32) {
    %c0_i32 = arith.constant 0 : i32
    %c0_i32_0 = arith.constant 0 : i32
    %c0_i32_1 = arith.constant 0 : i32
    return %arg0, %c0_i32, %c0_i32_0 : i32, i32, i32
  }
}

</mosaic_0001>

<sc_bundles>
// kernel: kernel.4.cloned.1.call-start
scs
__scs_entry_jumppad:
0x0: {  	(pc) =	sbr.rel $0x88, $3  }
0x1: {  	(tag) =	ssettag $0x0;
	lr =	simm.s32 $0x1  }
0x2: {  	[smem:$0x3F9F] =	sst lr;
	_ =	strace $0xD0000000  }
0x3: {  	_ = 	snop  }
0x4: {  	_ = 	snop  }
0x5: {  	_ = 	snop  }
0x6: {  	_ = 	snop  }
0x7: {  	_ = 	snop  }
__scs_overlays_trampoline_lowered:
0x8: {  	[smem:$0x3FAE] =	sst s0  }
0x9: {  	[smem:$0x3FAF] =	sst s1  }
0xa: {  	[smem:$0x3FB0] =	sst s2  }
0xb: {  	[smem:$0x3FB1] =	sst s3  }
0xc: {  	[smem:$0x3FB2] =	sst s4  }
0xd: {  	[smem:$0x3FB3] =	sst s5  }
0xe: {  	[smem:$0x3FB4] =	sst s6  }
0xf: {  	[smem:$0x3FB5] =	sst s7  }
0x10: {  	[smem:$0x3FB6] =	sst s8  }
0x11: {  	[smem:$0x3FB7] =	sst s9;
	s0 =	simm.s32 @!p0 $0x0  }
0x12: {  	s1 =	sld [smem:$0x3F9D];
	s0 =	simm.s32 @p0 $0x1  }
0x13: {  	[smem:$0x3FB8] =	sst s0;
	s0 =	simm.s32 @!p1 $0x0  }
0x14: {  	s2 =	sld [smem:$0x3F9C];
	s0 =	simm.s32 @p1 $0x1  }
0x15: {  	[smem:$0x3FB9] =	sst s0;
	s0 =	simm.s32 @!p2 $0x0  }
0x16: {  	s3 =	sld [smem:$0x3FDB];
	s0 =	simm.s32 @p2 $0x1  }
0x17: {  	s4 =	simm.s32 $0x1BF5;
	[smem:$0x3FBB] =	sst s0  }
0x18: {  	s0 =	sld [smem:$0x3F9E];
	_ =	swait.ge [sflag:s4], $0x0  }
0x19: {  	s7 =	sld [smem:$0x3F9F]  }
0x1a: {  	s8 =	sadd.s32 $0xFFFFE003, lr  }
0x1b: {  	s9 =	sadd.s32 $0xFFFFFEF7, lr;
	s5 =	simm.s32 $0xFFFFFFFF;
	p2 =	slt.u32 s8, $0xFFFFF086  }
0x1c: {  	p1 =	slt.u32 s9, $0xF7A;
	s5 =	simm.s32 @!p2 $0x0  }
0x1d: {  	s5 =	simm.s32 @p1 $0x1;
	p0 =	seq.s32 s7, s2  }
0x1e: {  	s7 =	smul.u32 @!p0 $0xF7A, s2;
	p2 =	seq.s32 @!p0 s5, $0x0  }
0x1f: {  	s9 =	smul.u32 $0xF7A, s1;
	s8 =	simm.s32 @!p0 $0x1BF5;
	p2 =	por !p2, p0  }
0x20: {  	[sflag:s8] =	ssyncset.s32 @!p0 $0xFFFFF086;
	s6 =	sadd.s32 @!p0 s3, s7;
	s7 =	simm.s32 @!p0 $0x108  }
0x21: {  	s3 =	sadd.s32 s3, s9;
	s6 =	sadd.s32 @!p0 $0x88, s6;
	s7 =	simm.s32 @p2 $0x1082  }
0x22: {  	[simem:s7], [sflag:s8] =	dma.local @!p0 [hbm:s6], $0xF7A  }
0x23: {  	s9 =	sor.u32 $0xD0000000, s2;
	s6 =	simm.s32 $0x108;
	_ =	swait.ge @!p0 [sflag:s8], $0x0  }
0x24: {  	s3 =	sadd.s32 $0x88, s3;
	s6 =	simm.s32 @!p1 $0x1082;
	[sflag:s4] =	ssyncset.s32 $0xFFFFF086  }
0x25: {  	[simem:s6], [sflag:s4] =	dma.local [hbm:s3], $0xF7A  }
0x26: {  	[smem:$0x3F9F] =	sst s1;
	(tag) =	ssettag s2;
	_ =	strace s9  }
0x27: {  	s1 =	sld [smem:$0x3FAF]  }
0x28: {  	s2 =	sld [smem:$0x3FB0]  }
0x29: {  	s4 =	sld [smem:$0x3FB2]  }
0x2a: {  	p0 =	seq.s32 s5, $0x0;
	s5 =	sld [smem:$0x3FB3]  }
0x2b: {  	s6 =	sld [smem:$0x3FB4]  }
0x2c: {  	s7 =	sld [smem:$0x3FB5]  }
0x2d: {  	s3 =	simm.s32 $0x108;
	s8 =	sld [smem:$0x3FB6]  }
0x2e: {  	s3 =	simm.s32 @!p0 $0x1082;
	s9 =	sld [smem:$0x3FB7]  }
0x2f: {  	lr =	sadd.s32 s0, s3;
	s0 =	sld [smem:$0x3FAE]  }
0x30: {  	s3 =	sld [smem:$0x3FB1]  }
0x31: {  	[smem:$0x3FBA] =	sst s10  }
0x32: {  	s10 =	sld [smem:$0x3FB8];
	_ =	sdelay $0x3  }
0x33: {  	p0 =	seq.s32 s10, $0x1;
	s10 =	sld [smem:$0x3FBA];
	_ =	sdelay $0x3  }
0x34: {  	[smem:$0x3FBA] =	sst s10  }
0x35: {  	s10 =	sld [smem:$0x3FB9];
	_ =	sdelay $0x3  }
0x36: {  	p1 =	seq.s32 s10, $0x1;
	s10 =	sld [smem:$0x3FBA];
	_ =	sdelay $0x3  }
0x37: {  	[smem:$0x3FBA] =	sst s10  }
0x38: {  	s10 =	sld [smem:$0x3FBB]  }
0x39: {  	_ = 	snop;
	(pc) =	sbr.ind lr, $3  }
0x3a: {  	_ = 	snop  }
0x3b: {  	_ = 	snop  }
0x3c: {  	p2 =	seq.s32 s10, $0x1;
	s10 =	sld [smem:$0x3FBA]  }
0x3d: {  	_ =	shalt  }
0x3e: {  	_ =	shalt  }
0x3f: {  	_ =	shalt  }
0x40: {  	_ =	shalt  }
0x41: {  	_ =	shalt  }
0x42: {  	_ =	shalt  }
0x43: {  	_ =	shalt  }
0x44: {  	_ =	shalt  }
0x45: {  	_ =	shalt  }
0x46: {  	_ =	shalt  }
0x47: {  	_ =	shalt  }
0x48: {  	_ =	shalt  }
0x49: {  	_ =	shalt  }
0x4a: {  	_ =	shalt  }
0x4b: {  	_ =	shalt  }
0x4c: {  	_ =	shalt  }
0x4d: {  	_ =	shalt  }
0x4e: {  	_ =	shalt  }
0x4f: {  	_ =	shalt  }
0x50: {  	_ =	shalt  }
0x51: {  	_ =	shalt  }
0x52: {  	_ =	shalt  }
0x53: {  	_ =	shalt  }
0x54: {  	_ =	shalt  }
0x55: {  	_ =	shalt  }
0x56: {  	_ =	shalt  }
0x57: {  	_ =	shalt  }
0x58: {  	_ =	shalt  }
0x59: {  	_ =	shalt  }
0x5a: {  	_ =	shalt  }
0x5b: {  	_ =	shalt  }
0x5c: {  	_ =	shalt  }
0x5d: {  	_ =	shalt  }
0x5e: {  	_ =	shalt  }
0x5f: {  	_ =	shalt  }
0x60: {  	_ =	shalt  }
0x61: {  	_ =	shalt  }
0x62: {  	_ =	shalt  }
0x63: {  	_ =	shalt  }
0x64: {  	_ =	shalt  }
0x65: {  	_ =	shalt  }
0x66: {  	_ =	shalt  }
0x67: {  	_ =	shalt  }
0x68: {  	_ =	shalt  }
0x69: {  	_ =	shalt  }
0x6a: {  	_ =	shalt  }
0x6b: {  	_ =	shalt  }
0x6c: {  	_ =	shalt  }
0x6d: {  	_ =	shalt  }
0x6e: {  	_ =	shalt  }
0x6f: {  	_ =	shalt  }
0x70: {  	_ =	shalt  }
0x71: {  	_ =	shalt  }
0x72: {  	_ =	shalt  }
0x73: {  	_ =	shalt  }
0x74: {  	_ =	shalt  }
0x75: {  	_ =	shalt  }
0x76: {  	_ =	shalt  }
0x77: {  	_ =	shalt  }
0x78: {  	_ =	shalt  }
0x79: {  	_ =	shalt  }
0x7a: {  	_ =	shalt  }
0x7b: {  	_ =	shalt  }
0x7c: {  	_ =	shalt  }
0x7d: {  	_ =	shalt  }
0x7e: {  	_ =	shalt  }
0x7f: {  	_ =	shalt  }
0x80: {  	_ =	shalt  }
0x81: {  	_ =	shalt  }
0x82: {  	_ =	shalt  }
0x83: {  	_ =	shalt  }
0x84: {  	_ =	shalt  }
0x85: {  	_ =	shalt  }
0x86: {  	_ =	shalt  }
0x87: {  	_ =	shalt  }
.Lfunc_end0:
.L_simem_size_0:
called_computation_lowered:
.L_overlay_start_0:
0x88: {  	s2 =	sld [smem:$0x3FD9]  }
0x89: {  	s3 =	sld [smem:$0x3FFE];
	_ =	sdelay $0x1  }
0x8a: {  	s1 =	srdreg.scid  }
0x8b: {  	s0 =	sand.u32 $0x1, s1  }
0x8c: {  	s17 =	sshll.u32 s0, $0xA;
	s2 =	sadd.s32 s3, s2  }
0x8d: {  	s2 =	sadd.s32 s2, s17  }
0x8e: {  	[smem:$0x3FC6] =	sst s2  }
0x8f: {  	_ = 	snop  }
0x90: {  	s2 =	sld [smem:$0x3FD0];
	(tm) =	ssettm $0x1  }
0x91: {  	s18 =	sld [smem:$0x3FFB];
	_ =	sdelay $0x3  }
0x92: {  	_ =	strace s18  }
0x93: {  	s3 =	sld [smem:$0x3FFC];
	_ =	sdelay $0x3  }
0x94: {  	_ =	strace s3  }
0x95: {  	s3 =	sld [smem:$0x3FFD];
	_ =	sdelay $0x3  }
0x96: {  	_ =	strace s3  }
0x97: {  	_ =	strace $0x8FFFFFFF  }
0x98: {  	s19 =	sld [smem:$0x3FDB];
	_ =	sdelay $0x1  }
0x99: {  	s4 =	simm.s32 $_scs_section_size  }
0x9a: {  	s5 =	simm.s32 $_size__tile_overlayer_lowered;
	s6 =	simm.s32 $_tile_overlayer_lowered  }
0x9b: {  	s22 =	simm.s32 $0x1BFF;
	s21 =	sshll.u32 s6, $0x1;
	s3 =	sadd.s32 s4, s19  }
0x9c: {  	s7 =	simm.s32 $0x0;
	s20 =	sshll.u32 s5, $0x1;
	s5 =	sadd.s32 s21, s3  }
0x9d: {  	[timem:s7], [sflag:s22] =	dma.local [hbm:s5], s20  }
0x9e: {  	_ =	swait.ge [sflag:s22], s20  }
0x9f: {  	s4 =	ssub.s32 $0x0, s20;
	[sflag:s22] =	ssyncset.done $0x0  }
0xa0: {  	[sflag:s22] =	ssyncadd.s32 s4;
	_ =	sdelay $0x1  }
0xa1: {  	s23 =	simm.s32 $0x1B8B  }
0xa2: {  	_ =	swait.ge [sflag:s23], $0x1  }
0xa3: {  	[sflag:s23] =	ssyncset.done $0x0  }
0xa4: {  	s25 =	simm.s32 $0x1B8E;
	s24 =	sld [smem:$0x3FFE];
	[sflag:s23] =	ssyncadd.s32 $0xFFFFFFFF  }
0xa5: {  	s26 =	simm.s32 $execute0_lowered;
	[smem:$0x3FD2] =	sst s25  }
0xa6: {  	s5 =	sshll.u32 s26, $0x1;
	_ =	strace $0x80000046;
	[dreg:$0x1] =	wrdreg $0xFFFFFFFF  }
0xa7: {  	s28 =	simm.s32 $_size_execute0_lowered;
	s3 =	sadd.s32 s3, s5;
	[dreg:$0x0] =	wrdreg $0x0  }
0xa8: {  	s5 =	sshll.u32 s28, $0x1;
	[dreg:$0x2] =	wrdreg s3  }
0xa9: {  	[dreg:$0x3] =	wrdreg s5  }
0xaa: {  	[dreg:$0x4] =	wrdreg $0xC0  }
0xab: {  	_ =	task [dreg:s7], $0x5FFFF  }
0xac: {  	[dreg:$0x1] =	wrdreg $0xFFFFFFFF  }
0xad: {  	[dreg:$0x0] =	wrdreg $0x60  }
0xae: {  	[dreg:$0x2] =	wrdreg s2  }
0xaf: {  	[dreg:$0x3] =	wrdreg s24  }
0xb0: {  	[dreg:$0x4] =	wrdreg $0x9  }
0xb1: {  	_ =	task.clear_ibuf [dreg:s7], $0x5FFFF;
	_ =	strace $0x90000046  }
0xb2: {  	s29 =	simm.s32 $0x9;
	_ =	strace $0x80000048  }
0xb3: {  	_ =	swait.ge [sflag:s29], $0x1  }
0xb4: {  	[sflag:s29] =	ssyncadd.s32 $0xFFFFFFFF  }
0xb5: {  	_ =	strace $0x90000048  }
0xb6: {  	_ =	sfence  }
0xb7: {  	s30 =	sld [smem:$0x0];
	_ =	sdelay $0x2  }
0xb8: {  	s31 =	sshll.u32 s1, $0xD;
	s1 =	sshrl.u32 s1, $0x2  }
0xb9: {  	s3 =	sand.u32 $0x4000, s31;
	s1 =	sadd.s32 s1, s30  }
0xba: {  	s0 =	sor.u32 s3, s0;
	s1 =	sshll.u32 s1, $0x11  }
0xbb: {  	s0 =	sor.u32 s1, s0  }
0xbc: {  	s0 =	sadd.s32 $0x8F2B, s0  }
0xbd: {  	[sflag:s0] =	ssyncadd.remote.s32 $0x1  }
0xbe: {  	_ =	sfence.sel $0xFFFF  }
0xbf: {  	[dreg:$0x0] =	wrdreg $0xFFFFFFFF;
	(pc) =	sbr.abs _section_cstart, $3  }
0xc0: {  	[dreg:$0x1] =	wrdreg $0xFFFFFFFF  }
0xc1: {  	_ =	task.clear_ibuf [dreg:s7], $0x2FFFF;
	_ =	strace $0x9FFFFFFF  }
0xc2: {  	(tm) =	ssettm $0x7FFFFFFF  }
0xc3: {  	_ =	shalt  }
tec
execute0_lowered:
.L_overlay_start_1:
0x0: {  	(tag) =	ssettag $0x1  }
0x1: {  	s1 =	srdreg.scid  }
0x2: {  	s2 =	rddreg [dreg:$0x0];
	s0 =	stileid.u32;
	s11 =	sand.u32 $0x1, s1  }
0x3: {  	s12 =	rddreg [dreg:$0x1];
	s4 =	sshll.u32 s0, $0x9;
	s5 =	sshll.u32 s11, $0x8  }
0x4: {  	s3 =	simm.s32 $0x0;
	s1 =	rddreg [dreg:$0x2];
	s13 =	sor.u32 s5, s4  }
0x5: {  	[smem:$0x7FF] =	sst s3;
	s4 =	sshrl.u32 s13, $0x3  }
0x6: {  	_ =	strace $0x80000047;
	s5 =	sadd.s32 s12, s4;
	s4 =	simm.s32 $0x2  }
0x7: {  	[tilespmem:s3], [sflag:$0x2] =	stream.linear.gather [hbm4b:s5+s3], $0x80, $0x38;
	[tilespmem:$0x2100] =	vst v63  }
0x8: {  	_ =	swait.ge [sflag:s4], $0x80  }
0x9: {  	[sflag:s4] =	ssyncset.done $0x0  }
0xa: {  	s7 =	simm.s32 $0x80;
	s6 =	sadd.s32 $0x10, s5;
	[sflag:s4] =	ssyncadd.s32 $0xFFFFFF80  }
0xb: {  	[tilespmem:s7], [sflag:$0x2] =	stream.linear.gather [hbm4b:s6+s3], $0x80, $0x38;
	[tilespmem:$0x2100] =	vst v63  }
0xc: {  	_ =	swait.ge [sflag:s4], $0x80  }
0xd: {  	[sflag:s4] =	ssyncset.done $0x0  }
0xe: {  	s8 =	simm.s32 $0x100;
	[sflag:s4] =	ssyncadd.s32 $0xFFFFFF80  }
0xf: {  	[tilespmem:s8], [sflag:$0x1] =	stream.indirect.gather [hbm4b:s2+s7], $0x20, s3, s7, $0xb8;
	[tilespmem:$0x2100] =	vst v63  }
0x10: {  	s9 =	simm.s32 $0x1100;
	s10 =	simm.s32 $0x1;
	s11 =	ssub.s32 $0x2, s11  }
0x11: {  	[tilespmem:s9], [sflag:$0x1] =	stream.indirect.gather [hbm4b:s2+s7], $0x20, s7, s7, $0xb8;
	[tilespmem:$0x2100] =	vst v63  }
0x12: {  	s14 =	sshrl.u32 s11, $0x1;
	_ =	swait.ge [sflag:s10], $0x1000  }
0x13: {  	s30 =	ssub.s32 s11, s14;
	[sflag:s10] =	ssyncset.done $0x0  }
0x14: {  	s31 =	smax.u32 s30, $0x1;
	[sflag:s10] =	ssyncadd.s32 $0xFFFFF000  }
0x15: {  	s13 =	sshll.u32 s13, $0x2;
	p0 =	sne.s32 s31, $0x1;
	_ =	swait.ge [sflag:s10], $0x1000  }
.Ltmp0:
0x16: {  	s12 =	sadd.s32 s13, s12;
	[sflag:s10] =	ssyncset.done $0x0;
	(pc) =	sbr.rel @!p0 .LBB2_2-.Ltmp0, $4  }
0x17: {  	s11 =	sadd.s32 $0x400, s12;
	[sflag:s10] =	ssyncadd.s32 $0xFFFFF000  }
0x18: {  	[hbm4b:s11+s3] =	stream.linear.scatter [tilespmem:s8], [sflag:$0x2], $0x2000, $0x38;
	[tilespmem:$0x2100] =	vst v63  }
0x19: {  	_ =	swait.ge [sflag:s4], $0x2000  }
0x1a: {  	s12 =	sadd.s32 $0xFFFFFFFF, s31;
	[sflag:s4] =	ssyncset.done $0x0  }
.LBB2_1:
0x1b: {  	p0 =	sne.s32 s12, $0x1;
	s12 =	sadd.s32 $0xFFFFFFFF, s12;
	[sflag:s4] =	ssyncadd.s32 $0xFFFFE000  }
0x1c: {  	[tilespmem:s3], [sflag:$0x2] =	stream.linear.gather [hbm4b:s5+s3], $0x80, $0x38;
	[tilespmem:$0x2100] =	vst v63  }
0x1d: {  	_ =	swait.ge [sflag:s4], $0x80  }
0x1e: {  	[sflag:s4] =	ssyncset.done $0x0  }
0x1f: {  	[sflag:s4] =	ssyncadd.s32 $0xFFFFFF80  }
0x20: {  	[tilespmem:s7], [sflag:$0x2] =	stream.linear.gather [hbm4b:s6+s3], $0x80, $0x38;
	[tilespmem:$0x2100] =	vst v63  }
0x21: {  	_ =	swait.ge [sflag:s4], $0x80  }
0x22: {  	[sflag:s4] =	ssyncset.done $0x0  }
0x23: {  	[sflag:s4] =	ssyncadd.s32 $0xFFFFFF80  }
0x24: {  	[tilespmem:s8], [sflag:$0x1] =	stream.indirect.gather [hbm4b:s2+s7], $0x20, s3, s7, $0xb8;
	[tilespmem:$0x2100] =	vst v63  }
0x25: {  	_ = 	snop  }
0x26: {  	[tilespmem:s9], [sflag:$0x1] =	stream.indirect.gather [hbm4b:s2+s7], $0x20, s7, s7, $0xb8;
	[tilespmem:$0x2100] =	vst v63  }
0x27: {  	_ =	swait.ge [sflag:s10], $0x1000  }
0x28: {  	[sflag:s10] =	ssyncset.done $0x0  }
0x29: {  	[sflag:s10] =	ssyncadd.s32 $0xFFFFF000  }
0x2a: {  	_ =	swait.ge [sflag:s10], $0x1000  }
.Ltmp1:
0x2b: {  	[sflag:s10] =	ssyncset.done $0x0;
	(pc) =	sbr.rel @p0 .LBB2_1-.Ltmp1, $4  }
0x2c: {  	[sflag:s10] =	ssyncadd.s32 $0xFFFFF000  }
0x2d: {  	[hbm4b:s11+s3] =	stream.linear.scatter [tilespmem:s8], [sflag:$0x2], $0x2000, $0x38;
	[tilespmem:$0x2100] =	vst v63  }
0x2e: {  	_ =	swait.ge [sflag:s4], $0x2000  }
0x2f: {  	[sflag:s4] =	ssyncset.done $0x0  }
.LBB2_2:
0x30: {  	[sflag:s4] =	ssyncadd.s32 $0xFFFFE000  }
0x31: {  	_ =	sfence.sel $0x180000  }
0x32: {  	[bflag:$0x0] =	sbarrier.arrive $0xFFFF  }
0x33: {  	p0 =	sne.s32 s0, $0x0;
	_ =	strace $0x90000047  }
0x34: {  	s0 =	sadd.s32 @!p0 $0x100000, s1;
	[bflag:$0x2] =	sbarrier.arrive $0xFFFF  }
0x35: {  	[sflag:s0] =	ssyncadd.tile.s32 @!p0 $0x1;
	_ =	shalt  }
.Lfunc_end2:
_tile_overlayer_lowered:
.L_overlay_start_2:
0x36: {  	(tag) =	ssettag $0x2  }
0x37: {  	s0 =	rddreg [dreg:$0x0];
	s2 =	stileid.u32  }
0x38: {  	s1 =	rddreg [dreg:$0x1];
	p0 =	sne.s32 s2, $0x0  }
0x39: {  	s3 =	rddreg [dreg:$0x2];
	[bflag:$0x3] =	sbarrier.arrive $0xFFFF;
	s2 =	simm.s32 @!p0 $0x1C02  }
0x3a: {  	[timem:s3], [sflag:s2] =	dma.local @!p0 [hbm:s0], s1  }
0x3b: {  	s0 =	simm.s32 @!p0 $0x2  }
0x3c: {  	_ =	swait.ge @!p0 [sflag:s0], s1  }
0x3d: {  	s1 =	ssub.s32 @!p0 $0x0, s1;
	[sflag:s0] =	ssyncset.done @!p0 $0x0  }
0x3e: {  	[sflag:s0] =	ssyncadd.s32 @!p0 s1  }
0x3f: {  	[bflag:$0x3] =	sbarrier.arrive $0xFFFF  }
0x40: {  	_ =	shalt  }

</sc_bundles>
